<compile_context>
chip_gen: v7x
topology: tpu7x:2x2x1
jax: 0.10.2.dev20260603
libtpu: 0.0.44.dev20260713+nightly
codegen_flags: <defaults>
</compile_context>

<pallas_src>
import functools

import jax
import jax.numpy as jnp
from jax import lax
from jax.experimental import pallas as pl
from jax.experimental.pallas import tpu as pltpu
from jax.experimental.pallas import tpu_sc as plsc

N = 10000
D = 128
E = 320000
NC = 2
NS = 16
NW = NC * NS
CH = 128
NCH = 80
NI = 8
EP = NW * NCH * CH
NP = 10240
RPT = NP // NS


def _sc_scatter_add(h, idx3, zrows):
    mesh = plsc.VectorSubcoreMesh(
        core_axis_name="c", subcore_axis_name="s", num_cores=NC, num_subcores=NS
    )

    @functools.partial(
        pl.kernel,
        out_type=jax.ShapeDtypeStruct((NC, NP, D), jnp.float32),
        mesh=mesh,
        scratch_types=[
            pltpu.VMEM((NI, 2, CH), jnp.int32),
            pltpu.VMEM((2, CH, D), jnp.float32),
            pltpu.VMEM_SHARED((NP, D), jnp.float32),
            pltpu.SemaphoreType.DMA((NI,)),
            pltpu.SemaphoreType.DMA((2,)),
            pltpu.SemaphoreType.DMA((2,)),
        ],
    )
    def k(h_hbm, idx_hbm, z_hbm, out_hbm,
          idx_v, rows_v, acc_sh, isem, gsem, ssem):
        c = lax.axis_index("c")
        s = lax.axis_index("s")
        wid = c * NS + s

        def idx_start(j):
            q = lax.rem(j, NI)
            pltpu.async_copy(idx_hbm.at[wid, j], idx_v.at[q], isem.at[q])

        def idx_wait(j):
            q = lax.rem(j, NI)
            pltpu.make_async_copy(
                idx_hbm.at[wid, j], idx_v.at[q], isem.at[q]).wait()

        def gather_start(j):
            b, q = lax.rem(j, 2), lax.rem(j, NI)
            pltpu.async_copy(
                h_hbm.at[idx_v.at[q, 0]], rows_v.at[b], gsem.at[b])

        def gather_wait(j):
            b, q = lax.rem(j, 2), lax.rem(j, NI)
            pltpu.make_async_copy(
                h_hbm.at[idx_v.at[q, 0]], rows_v.at[b], gsem.at[b]).wait()

        def scatter_start(j):
            b, q = lax.rem(j, 2), lax.rem(j, NI)
            pltpu.async_copy(
                rows_v.at[b], acc_sh.at[idx_v.at[q, 1]], ssem.at[b], add=True)

        def scatter_wait(j):
            b, q = lax.rem(j, 2), lax.rem(j, NI)
            pltpu.make_async_copy(
                rows_v.at[b], acc_sh.at[idx_v.at[q, 1]], ssem.at[b]).wait()

        for q in range(NI - 1):
            idx_start(q)
        pltpu.sync_copy(z_hbm.at[pl.ds(s * RPT, RPT)],
                        acc_sh.at[pl.ds(s * RPT, RPT)])
        plsc.subcore_barrier()
        idx_wait(0)
        gather_start(0)

        def body(j, carry):
            @pl.when(j >= 1)
            def _():
                scatter_wait(j - 1)

            @pl.when(j + NI - 1 < NCH)
            def _():
                idx_start(j + NI - 1)

            @pl.when(j + 1 < NCH)
            def _():
                idx_wait(j + 1)
                gather_start(j + 1)

            gather_wait(j)
            scatter_start(j)
            return carry

        lax.fori_loop(0, NCH, body, 0)
        scatter_wait(NCH - 1)
        plsc.subcore_barrier()
        pltpu.sync_copy(acc_sh.at[pl.ds(s * RPT, RPT)],
                        out_hbm.at[c, pl.ds(s * RPT, RPT)])

    return k(h, idx3, zrows)


def _mlp(h, p, W1, b1, W2, b2):

    def body(h_ref, p_ref, w1_ref, b1_ref, w2_ref, b2_ref, o_ref):
        u = h_ref[...] + p_ref[0, :N] + p_ref[1, :N]
        t = jnp.dot(u, w1_ref[...], preferred_element_type=jnp.float32)
        t = jnp.maximum(t + b1_ref[...], 0.0)
        v = jnp.dot(t, w2_ref[...], preferred_element_type=jnp.float32)
        o_ref[...] = jnp.maximum(v + b2_ref[...], 0.0)

    return pl.pallas_call(
        body,
        out_shape=jax.ShapeDtypeStruct((N, D), jnp.float32),
    )(h, p, W1, b1, W2, b2)


def _mlp_fc(h, p, W1, b1, W2, b2, Wfcp, bfcp):

    def body(h_ref, p_ref, w1_ref, b1_ref, w2_ref, b2_ref,
             wfc_ref, bfc_ref, o_ref):
        u = h_ref[...] + p_ref[0, :N] + p_ref[1, :N]
        t = jnp.dot(u, w1_ref[...], preferred_element_type=jnp.float32)
        t = jnp.maximum(t + b1_ref[...], 0.0)
        v = jnp.dot(t, w2_ref[...], preferred_element_type=jnp.float32)
        h2 = jnp.maximum(v + b2_ref[...], 0.0)
        o = jnp.dot(h2, wfc_ref[...], preferred_element_type=jnp.float32)
        o_ref[...] = o + bfc_ref[...]

    return pl.pallas_call(
        body,
        out_shape=jax.ShapeDtypeStruct((N, D), jnp.float32),
    )(h, p, W1, b1, W2, b2, Wfcp, bfcp)


def kernel(x, edge_index, W1a, b1a, W2a, b2a, W1b, b1b, W2b, b2b, Wfc, bfc):
    src = edge_index[0].astype(jnp.int32)
    dst = edge_index[1].astype(jnp.int32)
    pad_i = jnp.arange(EP - E, dtype=jnp.int32) % (NP - N)
    src_p = jnp.concatenate([src, pad_i]).reshape(NW, NCH, 1, CH)
    dst_p = jnp.concatenate([dst, N + pad_i]).reshape(NW, NCH, 1, CH)
    idx3 = jnp.concatenate([src_p, dst_p], axis=2)
    zrows = jnp.zeros((NP, D), jnp.float32)
    b1a2, b2a2, b1b2, b2b2 = (b.reshape(1, D) for b in (b1a, b2a, b1b, b2b))
    Wfcp = jnp.pad(Wfc, ((0, 0), (0, D - Wfc.shape[1])))
    bfcp = jnp.pad(bfc, (0, D - bfc.shape[0])).reshape(1, D)

    p1 = _sc_scatter_add(x, idx3, zrows)
    h1 = _mlp(x, p1, W1a, b1a2, W2a, b2a2)
    p2 = _sc_scatter_add(h1, idx3, zrows)
    o = _mlp_fc(h1, p2, W1b, b1b2, W2b, b2b2, Wfcp, bfcp)
    return o[:, :3]

# --- scband reference (transcript-rebuilt; emitter-appended) ---
"""Pipeline reference for scband-gin-16870631538847 (READ-ONLY COPY).

The authoritative reference and input builder live on the scoring server;
editing this copy changes nothing except your own understanding.
"""

import jax, jax.numpy as jnp
import numpy as np

N = 10000
E = 320000
D = 128
H = 128
OUT = 3

def setup_inputs(seed: int = 0) -> dict:
    key = jax.random.key(seed)
    ks = jax.random.split(key, 12)
    x = jax.random.normal(ks[0], (N, D), dtype=jnp.float32)
    edge_index = jax.random.randint(ks[1], (2, E), 0, N, dtype=jnp.int64)
    # GINConv 1 MLP: Linear(D->H), ReLU, Linear(H->H)
    W1a = jax.random.normal(ks[2], (D, H), dtype=jnp.float32) * (1.0 / np.sqrt(D))
    b1a = jnp.zeros((H,), dtype=jnp.float32)
    W2a = jax.random.normal(ks[3], (H, H), dtype=jnp.float32) * (1.0 / np.sqrt(H))
    b2a = jnp.zeros((H,), dtype=jnp.float32)
    # GINConv 2 MLP: Linear(H->H), ReLU, Linear(H->H)
    W1b = jax.random.normal(ks[4], (H, H), dtype=jnp.float32) * (1.0 / np.sqrt(H))
    b1b = jnp.zeros((H,), dtype=jnp.float32)
    W2b = jax.random.normal(ks[5], (H, H), dtype=jnp.float32) * (1.0 / np.sqrt(H))
    b2b = jnp.zeros((H,), dtype=jnp.float32)
    # final fc: Linear(H->3)
    Wfc = jax.random.normal(ks[6], (H, OUT), dtype=jnp.float32) * (1.0 / np.sqrt(H))
    bfc = jnp.zeros((OUT,), dtype=jnp.float32)
    return {"x": x, "edge_index": edge_index,
            "W1a": W1a, "b1a": b1a, "W2a": W2a, "b2a": b2a,
            "W1b": W1b, "b1b": b1b, "W2b": W2b, "b2b": b2b,
            "Wfc": Wfc, "bfc": bfc}

def _gin_conv(h, edge_index, W1, b1, W2, b2, eps=0.0):
    src = edge_index[0]
    dst = edge_index[1]
    # sum aggregation of neighbor messages (scatter-add)
    agg = jnp.zeros_like(h).at[dst].add(h[src])
    out = (1.0 + eps) * h + agg
    out = jnp.maximum(out @ W1 + b1, 0.0)
    out = out @ W2 + b2
    return out

def reference(x, edge_index, W1a, b1a, W2a, b2a, W1b, b1b, W2b, b2b, Wfc, bfc):
    h = _gin_conv(x, edge_index, W1a, b1a, W2a, b2a)
    h = jnp.maximum(h, 0.0)
    h = _gin_conv(h, edge_index, W1b, b1b, W2b, b2b)
    h = jnp.maximum(h, 0.0)
    # dropout is identity in eval mode
    out = h @ Wfc + bfc
    return out

if __name__ == "__main__":
    import jax
    _d = setup_inputs()
    print(jax.jit(kernel)(*tuple(_d.values())))

</pallas_src>

<mosaic_0001>
#map = affine_map<(d0, d1) -> (0, 0)>
#map1 = affine_map<(d0, d1) -> (0, 0, 0, 0)>
#map2 = affine_map<(d0, d1) -> (0, 0, 0)>
module attributes {stable_mosaic.version = 14 : i64} {
  func.func @k(%arg0: i32, %arg1: i32, %arg2: memref<10000x128xf32, #tpu.memory_space<hbm>>, %arg3: memref<32x80x2x128xi32, #tpu.memory_space<hbm>>, %arg4: memref<10240x128xf32, #tpu.memory_space<hbm>>, %arg5: memref<2x10240x128xf32, #tpu.memory_space<hbm>>, %arg6: memref<8x2x128xi32, #tpu.memory_space<vmem>>, %arg7: memref<2x128x128xf32, #tpu.memory_space<vmem>>, %arg8: memref<10240x128xf32, #tpu.memory_space<vmem_shared>>, %arg9: memref<8x!tpu.dma_semaphore, #tpu.memory_space<semaphore_mem>>, %arg10: memref<2x!tpu.dma_semaphore, #tpu.memory_space<semaphore_mem>>, %arg11: memref<2x!tpu.dma_semaphore, #tpu.memory_space<semaphore_mem>>) attributes {dimension_semantics = [#tpu.dimension_semantics<core_parallel>, #tpu.dimension_semantics<subcore_parallel>], iteration_bounds = array<i64: 2, 16>, scalar_prefetch = 0 : i64, scratch_operands = 6 : i64, tpu.core_type = #tpu.core_type<sc_vector_subcore>, window_params = [{transform_indices = #map}, {transform_indices = #map1}, {transform_indices = #map}, {transform_indices = #map2}]} {
    %mul3A = arith.constant 16 : i32
    %mul3A_0 = arith.muli %arg0, %mul3A : i32
    %add3A = arith.addi %mul3A_0, %arg1 : i32
    %rem3A = arith.constant 0 : i32
    %rem3A_1 = arith.constant 8 : i32
    %rem3A_2 = arith.remsi %rem3A, %rem3A_1 : i32
    %dma_start3A = arith.constant 0 : i32
    %dma_start3A_3 = arith.constant 0 : i32
    %dma_start3A_4 = arith.constant 0 : i32
    %dma_start3A_5 = tpu.memref_slice %arg6[%rem3A_2, %dma_start3A_3, %dma_start3A_4] : memref<8x2x128xi32, #tpu.memory_space<vmem>> -> memref<1x2x128xi32, #tpu.memory_space<vmem>>
    %dma_start3A_6 = tpu.memref_squeeze %dma_start3A_5 : memref<1x2x128xi32, #tpu.memory_space<vmem>> -> memref<2x128xi32, #tpu.memory_space<vmem>>
    %dma_start3A_7 = arith.constant 0 : i32
    %dma_start3A_8 = arith.constant 0 : i32
    %dma_start3A_9 = tpu.memref_slice %arg3[%add3A, %dma_start3A, %dma_start3A_7, %dma_start3A_8] : memref<32x80x2x128xi32, #tpu.memory_space<hbm>> -> memref<1x1x2x128xi32, #tpu.memory_space<hbm>>
    %dma_start3A_10 = tpu.memref_squeeze %dma_start3A_9 : memref<1x1x2x128xi32, #tpu.memory_space<hbm>> -> memref<2x128xi32, #tpu.memory_space<hbm>>
    %dma_start3A_11 = tpu.memref_slice %arg9[%rem3A_2] : memref<8x!tpu.dma_semaphore, #tpu.memory_space<semaphore_mem>> -> memref<1x!tpu.dma_semaphore, #tpu.memory_space<semaphore_mem>>
    %dma_start3A_12 = tpu.memref_squeeze %dma_start3A_11 : memref<1x!tpu.dma_semaphore, #tpu.memory_space<semaphore_mem>> -> memref<!tpu.dma_semaphore, #tpu.memory_space<semaphore_mem>>
    %dma_start3A_13 = arith.constant 0 : i32
    %dma_start3A_14 = arith.constant 0 : i32
    %dma_start3A_15 = tpu.memref_slice %arg6[%rem3A_2, %dma_start3A_13, %dma_start3A_14] : memref<8x2x128xi32, #tpu.memory_space<vmem>> -> memref<1x2x128xi32, #tpu.memory_space<vmem>>
    %dma_start3A_16 = tpu.memref_squeeze %dma_start3A_15 : memref<1x2x128xi32, #tpu.memory_space<vmem>> -> memref<2x128xi32, #tpu.memory_space<vmem>>
    %dma_start3A_17 = arith.constant 0 : i32
    %dma_start3A_18 = arith.constant 0 : i32
    %dma_start3A_19 = tpu.memref_slice %arg3[%add3A, %dma_start3A, %dma_start3A_17, %dma_start3A_18] : memref<32x80x2x128xi32, #tpu.memory_space<hbm>> -> memref<1x1x2x128xi32, #tpu.memory_space<hbm>>
    %dma_start3A_20 = tpu.memref_squeeze %dma_start3A_19 : memref<1x1x2x128xi32, #tpu.memory_space<hbm>> -> memref<2x128xi32, #tpu.memory_space<hbm>>
    tpu.enqueue_dma source(%dma_start3A_20 : memref<2x128xi32, #tpu.memory_space<hbm>>) target(%dma_start3A_16 : memref<2x128xi32, #tpu.memory_space<vmem>>) target_semaphore(%dma_start3A_12 : memref<!tpu.dma_semaphore, #tpu.memory_space<semaphore_mem>>)
    %rem3A_21 = arith.constant 1 : i32
    %rem3A_22 = arith.constant 8 : i32
    %rem3A_23 = arith.remsi %rem3A_21, %rem3A_22 : i32
    %dma_start3A_24 = arith.constant 1 : i32
    %dma_start3A_25 = arith.constant 0 : i32
    %dma_start3A_26 = arith.constant 0 : i32
    %dma_start3A_27 = tpu.memref_slice %arg6[%rem3A_23, %dma_start3A_25, %dma_start3A_26] : memref<8x2x128xi32, #tpu.memory_space<vmem>> -> memref<1x2x128xi32, #tpu.memory_space<vmem>>
    %dma_start3A_28 = tpu.memref_squeeze %dma_start3A_27 : memref<1x2x128xi32, #tpu.memory_space<vmem>> -> memref<2x128xi32, #tpu.memory_space<vmem>>
    %dma_start3A_29 = arith.constant 0 : i32
    %dma_start3A_30 = arith.constant 0 : i32
    %dma_start3A_31 = tpu.memref_slice %arg3[%add3A, %dma_start3A_24, %dma_start3A_29, %dma_start3A_30] : memref<32x80x2x128xi32, #tpu.memory_space<hbm>> -> memref<1x1x2x128xi32, #tpu.memory_space<hbm>>
    %dma_start3A_32 = tpu.memref_squeeze %dma_start3A_31 : memref<1x1x2x128xi32, #tpu.memory_space<hbm>> -> memref<2x128xi32, #tpu.memory_space<hbm>>
    %dma_start3A_33 = tpu.memref_slice %arg9[%rem3A_23] : memref<8x!tpu.dma_semaphore, #tpu.memory_space<semaphore_mem>> -> memref<1x!tpu.dma_semaphore, #tpu.memory_space<semaphore_mem>>
    %dma_start3A_34 = tpu.memref_squeeze %dma_start3A_33 : memref<1x!tpu.dma_semaphore, #tpu.memory_space<semaphore_mem>> -> memref<!tpu.dma_semaphore, #tpu.memory_space<semaphore_mem>>
    %dma_start3A_35 = arith.constant 0 : i32
    %dma_start3A_36 = arith.constant 0 : i32
    %dma_start3A_37 = tpu.memref_slice %arg6[%rem3A_23, %dma_start3A_35, %dma_start3A_36] : memref<8x2x128xi32, #tpu.memory_space<vmem>> -> memref<1x2x128xi32, #tpu.memory_space<vmem>>
    %dma_start3A_38 = tpu.memref_squeeze %dma_start3A_37 : memref<1x2x128xi32, #tpu.memory_space<vmem>> -> memref<2x128xi32, #tpu.memory_space<vmem>>
    %dma_start3A_39 = arith.constant 0 : i32
    %dma_start3A_40 = arith.constant 0 : i32
    %dma_start3A_41 = tpu.memref_slice %arg3[%add3A, %dma_start3A_24, %dma_start3A_39, %dma_start3A_40] : memref<32x80x2x128xi32, #tpu.memory_space<hbm>> -> memref<1x1x2x128xi32, #tpu.memory_space<hbm>>
    %dma_start3A_42 = tpu.memref_squeeze %dma_start3A_41 : memref<1x1x2x128xi32, #tpu.memory_space<hbm>> -> memref<2x128xi32, #tpu.memory_space<hbm>>
    tpu.enqueue_dma source(%dma_start3A_42 : memref<2x128xi32, #tpu.memory_space<hbm>>) target(%dma_start3A_38 : memref<2x128xi32, #tpu.memory_space<vmem>>) target_semaphore(%dma_start3A_34 : memref<!tpu.dma_semaphore, #tpu.memory_space<semaphore_mem>>)
    %rem3A_43 = arith.constant 2 : i32
    %rem3A_44 = arith.constant 8 : i32
    %rem3A_45 = arith.remsi %rem3A_43, %rem3A_44 : i32
    %dma_start3A_46 = arith.constant 2 : i32
    %dma_start3A_47 = arith.constant 0 : i32
    %dma_start3A_48 = arith.constant 0 : i32
    %dma_start3A_49 = tpu.memref_slice %arg6[%rem3A_45, %dma_start3A_47, %dma_start3A_48] : memref<8x2x128xi32, #tpu.memory_space<vmem>> -> memref<1x2x128xi32, #tpu.memory_space<vmem>>
    %dma_start3A_50 = tpu.memref_squeeze %dma_start3A_49 : memref<1x2x128xi32, #tpu.memory_space<vmem>> -> memref<2x128xi32, #tpu.memory_space<vmem>>
    %dma_start3A_51 = arith.constant 0 : i32
    %dma_start3A_52 = arith.constant 0 : i32
    %dma_start3A_53 = tpu.memref_slice %arg3[%add3A, %dma_start3A_46, %dma_start3A_51, %dma_start3A_52] : memref<32x80x2x128xi32, #tpu.memory_space<hbm>> -> memref<1x1x2x128xi32, #tpu.memory_space<hbm>>
    %dma_start3A_54 = tpu.memref_squeeze %dma_start3A_53 : memref<1x1x2x128xi32, #tpu.memory_space<hbm>> -> memref<2x128xi32, #tpu.memory_space<hbm>>
    %dma_start3A_55 = tpu.memref_slice %arg9[%rem3A_45] : memref<8x!tpu.dma_semaphore, #tpu.memory_space<semaphore_mem>> -> memref<1x!tpu.dma_semaphore, #tpu.memory_space<semaphore_mem>>
    %dma_start3A_56 = tpu.memref_squeeze %dma_start3A_55 : memref<1x!tpu.dma_semaphore, #tpu.memory_space<semaphore_mem>> -> memref<!tpu.dma_semaphore, #tpu.memory_space<semaphore_mem>>
    %dma_start3A_57 = arith.constant 0 : i32
    %dma_start3A_58 = arith.constant 0 : i32
    %dma_start3A_59 = tpu.memref_slice %arg6[%rem3A_45, %dma_start3A_57, %dma_start3A_58] : memref<8x2x128xi32, #tpu.memory_space<vmem>> -> memref<1x2x128xi32, #tpu.memory_space<vmem>>
    %dma_start3A_60 = tpu.memref_squeeze %dma_start3A_59 : memref<1x2x128xi32, #tpu.memory_space<vmem>> -> memref<2x128xi32, #tpu.memory_space<vmem>>
    %dma_start3A_61 = arith.constant 0 : i32
    %dma_start3A_62 = arith.constant 0 : i32
    %dma_start3A_63 = tpu.memref_slice %arg3[%add3A, %dma_start3A_46, %dma_start3A_61, %dma_start3A_62] : memref<32x80x2x128xi32, #tpu.memory_space<hbm>> -> memref<1x1x2x128xi32, #tpu.memory_space<hbm>>
    %dma_start3A_64 = tpu.memref_squeeze %dma_start3A_63 : memref<1x1x2x128xi32, #tpu.memory_space<hbm>> -> memref<2x128xi32, #tpu.memory_space<hbm>>
    tpu.enqueue_dma source(%dma_start3A_64 : memref<2x128xi32, #tpu.memory_space<hbm>>) target(%dma_start3A_60 : memref<2x128xi32, #tpu.memory_space<vmem>>) target_semaphore(%dma_start3A_56 : memref<!tpu.dma_semaphore, #tpu.memory_space<semaphore_mem>>)
    %rem3A_65 = arith.constant 3 : i32
    %rem3A_66 = arith.constant 8 : i32
    %rem3A_67 = arith.remsi %rem3A_65, %rem3A_66 : i32
    %dma_start3A_68 = arith.constant 3 : i32
    %dma_start3A_69 = arith.constant 0 : i32
    %dma_start3A_70 = arith.constant 0 : i32
    %dma_start3A_71 = tpu.memref_slice %arg6[%rem3A_67, %dma_start3A_69, %dma_start3A_70] : memref<8x2x128xi32, #tpu.memory_space<vmem>> -> memref<1x2x128xi32, #tpu.memory_space<vmem>>
    %dma_start3A_72 = tpu.memref_squeeze %dma_start3A_71 : memref<1x2x128xi32, #tpu.memory_space<vmem>> -> memref<2x128xi32, #tpu.memory_space<vmem>>
    %dma_start3A_73 = arith.constant 0 : i32
    %dma_start3A_74 = arith.constant 0 : i32
    %dma_start3A_75 = tpu.memref_slice %arg3[%add3A, %dma_start3A_68, %dma_start3A_73, %dma_start3A_74] : memref<32x80x2x128xi32, #tpu.memory_space<hbm>> -> memref<1x1x2x128xi32, #tpu.memory_space<hbm>>
    %dma_start3A_76 = tpu.memref_squeeze %dma_start3A_75 : memref<1x1x2x128xi32, #tpu.memory_space<hbm>> -> memref<2x128xi32, #tpu.memory_space<hbm>>
    %dma_start3A_77 = tpu.memref_slice %arg9[%rem3A_67] : memref<8x!tpu.dma_semaphore, #tpu.memory_space<semaphore_mem>> -> memref<1x!tpu.dma_semaphore, #tpu.memory_space<semaphore_mem>>
    %dma_start3A_78 = tpu.memref_squeeze %dma_start3A_77 : memref<1x!tpu.dma_semaphore, #tpu.memory_space<semaphore_mem>> -> memref<!tpu.dma_semaphore, #tpu.memory_space<semaphore_mem>>
    %dma_start3A_79 = arith.constant 0 : i32
    %dma_start3A_80 = arith.constant 0 : i32
    %dma_start3A_81 = tpu.memref_slice %arg6[%rem3A_67, %dma_start3A_79, %dma_start3A_80] : memref<8x2x128xi32, #tpu.memory_space<vmem>> -> memref<1x2x128xi32, #tpu.memory_space<vmem>>
    %dma_start3A_82 = tpu.memref_squeeze %dma_start3A_81 : memref<1x2x128xi32, #tpu.memory_space<vmem>> -> memref<2x128xi32, #tpu.memory_space<vmem>>
    %dma_start3A_83 = arith.constant 0 : i32
    %dma_start3A_84 = arith.constant 0 : i32
    %dma_start3A_85 = tpu.memref_slice %arg3[%add3A, %dma_start3A_68, %dma_start3A_83, %dma_start3A_84] : memref<32x80x2x128xi32, #tpu.memory_space<hbm>> -> memref<1x1x2x128xi32, #tpu.memory_space<hbm>>
    %dma_start3A_86 = tpu.memref_squeeze %dma_start3A_85 : memref<1x1x2x128xi32, #tpu.memory_space<hbm>> -> memref<2x128xi32, #tpu.memory_space<hbm>>
    tpu.enqueue_dma source(%dma_start3A_86 : memref<2x128xi32, #tpu.memory_space<hbm>>) target(%dma_start3A_82 : memref<2x128xi32, #tpu.memory_space<vmem>>) target_semaphore(%dma_start3A_78 : memref<!tpu.dma_semaphore, #tpu.memory_space<semaphore_mem>>)
    %rem3A_87 = arith.constant 4 : i32
    %rem3A_88 = arith.constant 8 : i32
    %rem3A_89 = arith.remsi %rem3A_87, %rem3A_88 : i32
    %dma_start3A_90 = arith.constant 4 : i32
    %dma_start3A_91 = arith.constant 0 : i32
    %dma_start3A_92 = arith.constant 0 : i32
    %dma_start3A_93 = tpu.memref_slice %arg6[%rem3A_89, %dma_start3A_91, %dma_start3A_92] : memref<8x2x128xi32, #tpu.memory_space<vmem>> -> memref<1x2x128xi32, #tpu.memory_space<vmem>>
    %dma_start3A_94 = tpu.memref_squeeze %dma_start3A_93 : memref<1x2x128xi32, #tpu.memory_space<vmem>> -> memref<2x128xi32, #tpu.memory_space<vmem>>
    %dma_start3A_95 = arith.constant 0 : i32
    %dma_start3A_96 = arith.constant 0 : i32
    %dma_start3A_97 = tpu.memref_slice %arg3[%add3A, %dma_start3A_90, %dma_start3A_95, %dma_start3A_96] : memref<32x80x2x128xi32, #tpu.memory_space<hbm>> -> memref<1x1x2x128xi32, #tpu.memory_space<hbm>>
    %dma_start3A_98 = tpu.memref_squeeze %dma_start3A_97 : memref<1x1x2x128xi32, #tpu.memory_space<hbm>> -> memref<2x128xi32, #tpu.memory_space<hbm>>
    %dma_start3A_99 = tpu.memref_slice %arg9[%rem3A_89] : memref<8x!tpu.dma_semaphore, #tpu.memory_space<semaphore_mem>> -> memref<1x!tpu.dma_semaphore, #tpu.memory_space<semaphore_mem>>
    %dma_start3A_100 = tpu.memref_squeeze %dma_start3A_99 : memref<1x!tpu.dma_semaphore, #tpu.memory_space<semaphore_mem>> -> memref<!tpu.dma_semaphore, #tpu.memory_space<semaphore_mem>>
    %dma_start3A_101 = arith.constant 0 : i32
    %dma_start3A_102 = arith.constant 0 : i32
    %dma_start3A_103 = tpu.memref_slice %arg6[%rem3A_89, %dma_start3A_101, %dma_start3A_102] : memref<8x2x128xi32, #tpu.memory_space<vmem>> -> memref<1x2x128xi32, #tpu.memory_space<vmem>>
    %dma_start3A_104 = tpu.memref_squeeze %dma_start3A_103 : memref<1x2x128xi32, #tpu.memory_space<vmem>> -> memref<2x128xi32, #tpu.memory_space<vmem>>
    %dma_start3A_105 = arith.constant 0 : i32
    %dma_start3A_106 = arith.constant 0 : i32
    %dma_start3A_107 = tpu.memref_slice %arg3[%add3A, %dma_start3A_90, %dma_start3A_105, %dma_start3A_106] : memref<32x80x2x128xi32, #tpu.memory_space<hbm>> -> memref<1x1x2x128xi32, #tpu.memory_space<hbm>>
    %dma_start3A_108 = tpu.memref_squeeze %dma_start3A_107 : memref<1x1x2x128xi32, #tpu.memory_space<hbm>> -> memref<2x128xi32, #tpu.memory_space<hbm>>
    tpu.enqueue_dma source(%dma_start3A_108 : memref<2x128xi32, #tpu.memory_space<hbm>>) target(%dma_start3A_104 : memref<2x128xi32, #tpu.memory_space<vmem>>) target_semaphore(%dma_start3A_100 : memref<!tpu.dma_semaphore, #tpu.memory_space<semaphore_mem>>)
    %rem3A_109 = arith.constant 5 : i32
    %rem3A_110 = arith.constant 8 : i32
    %rem3A_111 = arith.remsi %rem3A_109, %rem3A_110 : i32
    %dma_start3A_112 = arith.constant 5 : i32
    %dma_start3A_113 = arith.constant 0 : i32
    %dma_start3A_114 = arith.constant 0 : i32
    %dma_start3A_115 = tpu.memref_slice %arg6[%rem3A_111, %dma_start3A_113, %dma_start3A_114] : memref<8x2x128xi32, #tpu.memory_space<vmem>> -> memref<1x2x128xi32, #tpu.memory_space<vmem>>
    %dma_start3A_116 = tpu.memref_squeeze %dma_start3A_115 : memref<1x2x128xi32, #tpu.memory_space<vmem>> -> memref<2x128xi32, #tpu.memory_space<vmem>>
    %dma_start3A_117 = arith.constant 0 : i32
    %dma_start3A_118 = arith.constant 0 : i32
    %dma_start3A_119 = tpu.memref_slice %arg3[%add3A, %dma_start3A_112, %dma_start3A_117, %dma_start3A_118] : memref<32x80x2x128xi32, #tpu.memory_space<hbm>> -> memref<1x1x2x128xi32, #tpu.memory_space<hbm>>
    %dma_start3A_120 = tpu.memref_squeeze %dma_start3A_119 : memref<1x1x2x128xi32, #tpu.memory_space<hbm>> -> memref<2x128xi32, #tpu.memory_space<hbm>>
    %dma_start3A_121 = tpu.memref_slice %arg9[%rem3A_111] : memref<8x!tpu.dma_semaphore, #tpu.memory_space<semaphore_mem>> -> memref<1x!tpu.dma_semaphore, #tpu.memory_space<semaphore_mem>>
    %dma_start3A_122 = tpu.memref_squeeze %dma_start3A_121 : memref<1x!tpu.dma_semaphore, #tpu.memory_space<semaphore_mem>> -> memref<!tpu.dma_semaphore, #tpu.memory_space<semaphore_mem>>
    %dma_start3A_123 = arith.constant 0 : i32
    %dma_start3A_124 = arith.constant 0 : i32
    %dma_start3A_125 = tpu.memref_slice %arg6[%rem3A_111, %dma_start3A_123, %dma_start3A_124] : memref<8x2x128xi32, #tpu.memory_space<vmem>> -> memref<1x2x128xi32, #tpu.memory_space<vmem>>
    %dma_start3A_126 = tpu.memref_squeeze %dma_start3A_125 : memref<1x2x128xi32, #tpu.memory_space<vmem>> -> memref<2x128xi32, #tpu.memory_space<vmem>>
    %dma_start3A_127 = arith.constant 0 : i32
    %dma_start3A_128 = arith.constant 0 : i32
    %dma_start3A_129 = tpu.memref_slice %arg3[%add3A, %dma_start3A_112, %dma_start3A_127, %dma_start3A_128] : memref<32x80x2x128xi32, #tpu.memory_space<hbm>> -> memref<1x1x2x128xi32, #tpu.memory_space<hbm>>
    %dma_start3A_130 = tpu.memref_squeeze %dma_start3A_129 : memref<1x1x2x128xi32, #tpu.memory_space<hbm>> -> memref<2x128xi32, #tpu.memory_space<hbm>>
    tpu.enqueue_dma source(%dma_start3A_130 : memref<2x128xi32, #tpu.memory_space<hbm>>) target(%dma_start3A_126 : memref<2x128xi32, #tpu.memory_space<vmem>>) target_semaphore(%dma_start3A_122 : memref<!tpu.dma_semaphore, #tpu.memory_space<semaphore_mem>>)
    %rem3A_131 = arith.constant 6 : i32
    %rem3A_132 = arith.constant 8 : i32
    %rem3A_133 = arith.remsi %rem3A_131, %rem3A_132 : i32
    %dma_start3A_134 = arith.constant 6 : i32
    %dma_start3A_135 = arith.constant 0 : i32
    %dma_start3A_136 = arith.constant 0 : i32
    %dma_start3A_137 = tpu.memref_slice %arg6[%rem3A_133, %dma_start3A_135, %dma_start3A_136] : memref<8x2x128xi32, #tpu.memory_space<vmem>> -> memref<1x2x128xi32, #tpu.memory_space<vmem>>
    %dma_start3A_138 = tpu.memref_squeeze %dma_start3A_137 : memref<1x2x128xi32, #tpu.memory_space<vmem>> -> memref<2x128xi32, #tpu.memory_space<vmem>>
    %dma_start3A_139 = arith.constant 0 : i32
    %dma_start3A_140 = arith.constant 0 : i32
    %dma_start3A_141 = tpu.memref_slice %arg3[%add3A, %dma_start3A_134, %dma_start3A_139, %dma_start3A_140] : memref<32x80x2x128xi32, #tpu.memory_space<hbm>> -> memref<1x1x2x128xi32, #tpu.memory_space<hbm>>
    %dma_start3A_142 = tpu.memref_squeeze %dma_start3A_141 : memref<1x1x2x128xi32, #tpu.memory_space<hbm>> -> memref<2x128xi32, #tpu.memory_space<hbm>>
    %dma_start3A_143 = tpu.memref_slice %arg9[%rem3A_133] : memref<8x!tpu.dma_semaphore, #tpu.memory_space<semaphore_mem>> -> memref<1x!tpu.dma_semaphore, #tpu.memory_space<semaphore_mem>>
    %dma_start3A_144 = tpu.memref_squeeze %dma_start3A_143 : memref<1x!tpu.dma_semaphore, #tpu.memory_space<semaphore_mem>> -> memref<!tpu.dma_semaphore, #tpu.memory_space<semaphore_mem>>
    %dma_start3A_145 = arith.constant 0 : i32
    %dma_start3A_146 = arith.constant 0 : i32
    %dma_start3A_147 = tpu.memref_slice %arg6[%rem3A_133, %dma_start3A_145, %dma_start3A_146] : memref<8x2x128xi32, #tpu.memory_space<vmem>> -> memref<1x2x128xi32, #tpu.memory_space<vmem>>
    %dma_start3A_148 = tpu.memref_squeeze %dma_start3A_147 : memref<1x2x128xi32, #tpu.memory_space<vmem>> -> memref<2x128xi32, #tpu.memory_space<vmem>>
    %dma_start3A_149 = arith.constant 0 : i32
    %dma_start3A_150 = arith.constant 0 : i32
    %dma_start3A_151 = tpu.memref_slice %arg3[%add3A, %dma_start3A_134, %dma_start3A_149, %dma_start3A_150] : memref<32x80x2x128xi32, #tpu.memory_space<hbm>> -> memref<1x1x2x128xi32, #tpu.memory_space<hbm>>
    %dma_start3A_152 = tpu.memref_squeeze %dma_start3A_151 : memref<1x1x2x128xi32, #tpu.memory_space<hbm>> -> memref<2x128xi32, #tpu.memory_space<hbm>>
    tpu.enqueue_dma source(%dma_start3A_152 : memref<2x128xi32, #tpu.memory_space<hbm>>) target(%dma_start3A_148 : memref<2x128xi32, #tpu.memory_space<vmem>>) target_semaphore(%dma_start3A_144 : memref<!tpu.dma_semaphore, #tpu.memory_space<semaphore_mem>>)
    %mul3A_153 = arith.constant 640 : i32
    %mul3A_154 = arith.muli %arg1, %mul3A_153 : i32
    %mul3A_155 = arith.constant 640 : i32
    %mul3A_156 = arith.muli %arg1, %mul3A_155 : i32
    "tpu.region"() ({
      %run_scoped3A = tpu.sem_alloc : memref<!tpu.dma_semaphore, #tpu.memory_space<semaphore_mem>>
      %dma_start3A_226 = arith.constant 0 : i32
      %dma_start3A_227 = tpu.memref_slice %arg8[%mul3A_156, %dma_start3A_226] : memref<10240x128xf32, #tpu.memory_space<vmem_shared>> -> memref<640x128xf32, #tpu.memory_space<vmem_shared>>
      %dma_start3A_228 = arith.constant 0 : i32
      %dma_start3A_229 = tpu.memref_slice %arg4[%mul3A_154, %dma_start3A_228] : memref<10240x128xf32, #tpu.memory_space<hbm>> -> memref<640x128xf32, #tpu.memory_space<hbm>>
      tpu.enqueue_dma source(%dma_start3A_229 : memref<640x128xf32, #tpu.memory_space<hbm>>) target(%dma_start3A_227 : memref<640x128xf32, #tpu.memory_space<vmem_shared>>) target_semaphore(%run_scoped3A : memref<!tpu.dma_semaphore, #tpu.memory_space<semaphore_mem>>)
      %dma_wait3A_230 = arith.constant 0 : i32
      %dma_wait3A_231 = tpu.memref_slice %arg8[%mul3A_156, %dma_wait3A_230] : memref<10240x128xf32, #tpu.memory_space<vmem_shared>> -> memref<640x128xf32, #tpu.memory_space<vmem_shared>>
      %dma_wait3A_232 = arith.constant 0 : i32
      %dma_wait3A_233 = tpu.memref_slice %arg4[%mul3A_154, %dma_wait3A_232] : memref<10240x128xf32, #tpu.memory_space<hbm>> -> memref<640x128xf32, #tpu.memory_space<hbm>>
      tpu.wait_dma2 semaphore(%run_scoped3A : memref<!tpu.dma_semaphore, #tpu.memory_space<semaphore_mem>>) src(%dma_wait3A_233 : memref<640x128xf32, #tpu.memory_space<hbm>>) dst(%dma_wait3A_231 : memref<640x128xf32, #tpu.memory_space<vmem_shared>>)
      tpu.yield
    }) : () -> ()
    %barrier3A = arith.constant 0 : index
    tpu.barrier barrier_id(%barrier3A)
    %rem3A_157 = arith.constant 0 : i32
    %rem3A_158 = arith.constant 8 : i32
    %rem3A_159 = arith.remsi %rem3A_157, %rem3A_158 : i32
    %dma_wait3A = arith.constant 0 : i32
    %dma_wait3A_160 = arith.constant 0 : i32
    %dma_wait3A_161 = arith.constant 0 : i32
    %dma_wait3A_162 = tpu.memref_slice %arg6[%rem3A_159, %dma_wait3A_160, %dma_wait3A_161] : memref<8x2x128xi32, #tpu.memory_space<vmem>> -> memref<1x2x128xi32, #tpu.memory_space<vmem>>
    %dma_wait3A_163 = tpu.memref_squeeze %dma_wait3A_162 : memref<1x2x128xi32, #tpu.memory_space<vmem>> -> memref<2x128xi32, #tpu.memory_space<vmem>>
    %dma_wait3A_164 = arith.constant 0 : i32
    %dma_wait3A_165 = arith.constant 0 : i32
    %dma_wait3A_166 = tpu.memref_slice %arg3[%add3A, %dma_wait3A, %dma_wait3A_164, %dma_wait3A_165] : memref<32x80x2x128xi32, #tpu.memory_space<hbm>> -> memref<1x1x2x128xi32, #tpu.memory_space<hbm>>
    %dma_wait3A_167 = tpu.memref_squeeze %dma_wait3A_166 : memref<1x1x2x128xi32, #tpu.memory_space<hbm>> -> memref<2x128xi32, #tpu.memory_space<hbm>>
    %dma_wait3A_168 = tpu.memref_slice %arg9[%rem3A_159] : memref<8x!tpu.dma_semaphore, #tpu.memory_space<semaphore_mem>> -> memref<1x!tpu.dma_semaphore, #tpu.memory_space<semaphore_mem>>
    %dma_wait3A_169 = tpu.memref_squeeze %dma_wait3A_168 : memref<1x!tpu.dma_semaphore, #tpu.memory_space<semaphore_mem>> -> memref<!tpu.dma_semaphore, #tpu.memory_space<semaphore_mem>>
    %dma_wait3A_170 = arith.constant 0 : i32
    %dma_wait3A_171 = arith.constant 0 : i32
    %dma_wait3A_172 = tpu.memref_slice %arg6[%rem3A_159, %dma_wait3A_170, %dma_wait3A_171] : memref<8x2x128xi32, #tpu.memory_space<vmem>> -> memref<1x2x128xi32, #tpu.memory_space<vmem>>
    %dma_wait3A_173 = tpu.memref_squeeze %dma_wait3A_172 : memref<1x2x128xi32, #tpu.memory_space<vmem>> -> memref<2x128xi32, #tpu.memory_space<vmem>>
    %dma_wait3A_174 = arith.constant 0 : i32
    %dma_wait3A_175 = arith.constant 0 : i32
    %dma_wait3A_176 = tpu.memref_slice %arg3[%add3A, %dma_wait3A, %dma_wait3A_174, %dma_wait3A_175] : memref<32x80x2x128xi32, #tpu.memory_space<hbm>> -> memref<1x1x2x128xi32, #tpu.memory_space<hbm>>
    %dma_wait3A_177 = tpu.memref_squeeze %dma_wait3A_176 : memref<1x1x2x128xi32, #tpu.memory_space<hbm>> -> memref<2x128xi32, #tpu.memory_space<hbm>>
    tpu.wait_dma2 semaphore(%dma_wait3A_169 : memref<!tpu.dma_semaphore, #tpu.memory_space<semaphore_mem>>) src(%dma_wait3A_177 : memref<2x128xi32, #tpu.memory_space<hbm>>) dst(%dma_wait3A_173 : memref<2x128xi32, #tpu.memory_space<vmem>>)
    %rem3A_178 = arith.constant 0 : i32
    %rem3A_179 = arith.constant 2 : i32
    %rem3A_180 = arith.remsi %rem3A_178, %rem3A_179 : i32
    %rem3A_181 = arith.constant 0 : i32
    %rem3A_182 = arith.constant 8 : i32
    %rem3A_183 = arith.remsi %rem3A_181, %rem3A_182 : i32
    %dma_start3A_184 = arith.constant 0 : i32
    %dma_start3A_185 = arith.constant 0 : i32
    %dma_start3A_186 = arith.constant 0 : i32
    %dma_start3A_187 = tpu.memref_slice %arg7[%rem3A_180, %dma_start3A_185, %dma_start3A_186] : memref<2x128x128xf32, #tpu.memory_space<vmem>> -> memref<1x128x128xf32, #tpu.memory_space<vmem>>
    %dma_start3A_188 = tpu.memref_squeeze %dma_start3A_187 : memref<1x128x128xf32, #tpu.memory_space<vmem>> -> memref<128x128xf32, #tpu.memory_space<vmem>>
    %dma_start3A_189 = arith.constant 0 : i32
    %dma_start3A_190 = tpu.memref_slice %arg6[%rem3A_183, %dma_start3A_184, %dma_start3A_189] : memref<8x2x128xi32, #tpu.memory_space<vmem>> -> memref<1x1x128xi32, #tpu.memory_space<vmem>>
    %dma_start3A_191 = tpu.memref_squeeze %dma_start3A_190 : memref<1x1x128xi32, #tpu.memory_space<vmem>> -> memref<128xi32, #tpu.memory_space<vmem>>
    %dma_start3A_192 = arith.constant 0 : i32
    %dma_start3A_193 = arith.constant 0 : i32
    %dma_start3A_194 = tpu.memref_slice %arg2[%dma_start3A_192, %dma_start3A_193] : memref<10000x128xf32, #tpu.memory_space<hbm>> -> memref<10000x128xf32, #tpu.memory_space<hbm>>
    %dma_start3A_195 = tpu.memref_slice %arg10[%rem3A_180] : memref<2x!tpu.dma_semaphore, #tpu.memory_space<semaphore_mem>> -> memref<1x!tpu.dma_semaphore, #tpu.memory_space<semaphore_mem>>
    %dma_start3A_196 = tpu.memref_squeeze %dma_start3A_195 : memref<1x!tpu.dma_semaphore, #tpu.memory_space<semaphore_mem>> -> memref<!tpu.dma_semaphore, #tpu.memory_space<semaphore_mem>>
    tpu.enqueue_indirect_dma source(%dma_start3A_194 : memref<10000x128xf32, #tpu.memory_space<hbm>>) target(%dma_start3A_188 : memref<128x128xf32, #tpu.memory_space<vmem>>) offsets(%dma_start3A_191 : memref<128xi32, #tpu.memory_space<vmem>>) semaphore(%dma_start3A_196 : memref<!tpu.dma_semaphore, #tpu.memory_space<semaphore_mem>>)
    %scan3A = arith.constant 0 : i32
    %scan3A_197 = arith.constant 0 : i32
    %scan3A_198 = arith.constant 80 : i32
    %scan3A_199 = arith.addi %scan3A_197, %scan3A_198 : i32
    %scan3A_200 = arith.constant 1 : i32
    scf.for %scan3A_226 = %scan3A_197 to %scan3A_199 step %scan3A_200  : i32 {
      %ge3A = arith.constant 1 : i32
      %ge3A_227 = arith.cmpi sge, %scan3A_226, %ge3A : i32
      %convert_element_type3A = arith.extui %ge3A_227 : i1 to i32
      %cond3A = arith.constant 0 : i32
      %cond3A_228 = arith.cmpi ne, %convert_element_type3A, %cond3A : i32
      scf.if %cond3A_228 {
        %sub3A_277 = arith.constant 1 : i32
        %sub3A_278 = arith.subi %scan3A_226, %sub3A_277 : i32
        %rem3A_279 = arith.constant 2 : i32
        %rem3A_280 = arith.remsi %sub3A_278, %rem3A_279 : i32
        %rem3A_281 = arith.constant 8 : i32
        %rem3A_282 = arith.remsi %sub3A_278, %rem3A_281 : i32
        %dma_wait3A_283 = arith.constant 1 : i32
        %dma_wait3A_284 = arith.constant 0 : i32
        %dma_wait3A_285 = arith.constant 0 : i32
        %dma_wait3A_286 = tpu.memref_slice %arg7[%rem3A_280, %dma_wait3A_284, %dma_wait3A_285] : memref<2x128x128xf32, #tpu.memory_space<vmem>> -> memref<1x128x128xf32, #tpu.memory_space<vmem>>
        %dma_wait3A_287 = tpu.memref_squeeze %dma_wait3A_286 : memref<1x128x128xf32, #tpu.memory_space<vmem>> -> memref<128x128xf32, #tpu.memory_space<vmem>>
        %dma_wait3A_288 = arith.constant 0 : i32
        %dma_wait3A_289 = tpu.memref_slice %arg6[%rem3A_282, %dma_wait3A_283, %dma_wait3A_288] : memref<8x2x128xi32, #tpu.memory_space<vmem>> -> memref<1x1x128xi32, #tpu.memory_space<vmem>>
        %dma_wait3A_290 = tpu.memref_squeeze %dma_wait3A_289 : memref<1x1x128xi32, #tpu.memory_space<vmem>> -> memref<128xi32, #tpu.memory_space<vmem>>
        %dma_wait3A_291 = arith.constant 0 : i32
        %dma_wait3A_292 = arith.constant 0 : i32
        %dma_wait3A_293 = tpu.memref_slice %arg8[%dma_wait3A_291, %dma_wait3A_292] : memref<10240x128xf32, #tpu.memory_space<vmem_shared>> -> memref<10240x128xf32, #tpu.memory_space<vmem_shared>>
        %dma_wait3A_294 = tpu.memref_slice %arg11[%rem3A_280] : memref<2x!tpu.dma_semaphore, #tpu.memory_space<semaphore_mem>> -> memref<1x!tpu.dma_semaphore, #tpu.memory_space<semaphore_mem>>
        %dma_wait3A_295 = tpu.memref_squeeze %dma_wait3A_294 : memref<1x!tpu.dma_semaphore, #tpu.memory_space<semaphore_mem>> -> memref<!tpu.dma_semaphore, #tpu.memory_space<semaphore_mem>>
        tpu.wait_indirect_dma semaphore(%dma_wait3A_295 : memref<!tpu.dma_semaphore, #tpu.memory_space<semaphore_mem>>) src(%dma_wait3A_287 : memref<128x128xf32, #tpu.memory_space<vmem>>) dst(%dma_wait3A_293 : memref<10240x128xf32, #tpu.memory_space<vmem_shared>>)
      } else {
      }
      %add3A_229 = arith.constant 8 : i32
      %add3A_230 = arith.addi %scan3A_226, %add3A_229 : i32
      %sub3A = arith.constant 1 : i32
      %sub3A_231 = arith.subi %add3A_230, %sub3A : i32
      %lt3A = arith.constant 80 : i32
      %lt3A_232 = arith.cmpi slt, %sub3A_231, %lt3A : i32
      %convert_element_type3A_233 = arith.extui %lt3A_232 : i1 to i32
      %cond3A_234 = arith.constant 0 : i32
      %cond3A_235 = arith.cmpi ne, %convert_element_type3A_233, %cond3A_234 : i32
      scf.if %cond3A_235 {
        %add3A_277 = arith.constant 8 : i32
        %add3A_278 = arith.addi %scan3A_226, %add3A_277 : i32
        %sub3A_279 = arith.constant 1 : i32
        %sub3A_280 = arith.subi %add3A_278, %sub3A_279 : i32
        %rem3A_281 = arith.constant 8 : i32
        %rem3A_282 = arith.remsi %sub3A_280, %rem3A_281 : i32
        %dma_start3A_283 = arith.constant 0 : i32
        %dma_start3A_284 = arith.constant 0 : i32
        %dma_start3A_285 = tpu.memref_slice %arg6[%rem3A_282, %dma_start3A_283, %dma_start3A_284] : memref<8x2x128xi32, #tpu.memory_space<vmem>> -> memref<1x2x128xi32, #tpu.memory_space<vmem>>
        %dma_start3A_286 = tpu.memref_squeeze %dma_start3A_285 : memref<1x2x128xi32, #tpu.memory_space<vmem>> -> memref<2x128xi32, #tpu.memory_space<vmem>>
        %dma_start3A_287 = arith.constant 0 : i32
        %dma_start3A_288 = arith.constant 0 : i32
        %dma_start3A_289 = tpu.memref_slice %arg3[%add3A, %sub3A_280, %dma_start3A_287, %dma_start3A_288] : memref<32x80x2x128xi32, #tpu.memory_space<hbm>> -> memref<1x1x2x128xi32, #tpu.memory_space<hbm>>
        %dma_start3A_290 = tpu.memref_squeeze %dma_start3A_289 : memref<1x1x2x128xi32, #tpu.memory_space<hbm>> -> memref<2x128xi32, #tpu.memory_space<hbm>>
        %dma_start3A_291 = tpu.memref_slice %arg9[%rem3A_282] : memref<8x!tpu.dma_semaphore, #tpu.memory_space<semaphore_mem>> -> memref<1x!tpu.dma_semaphore, #tpu.memory_space<semaphore_mem>>
        %dma_start3A_292 = tpu.memref_squeeze %dma_start3A_291 : memref<1x!tpu.dma_semaphore, #tpu.memory_space<semaphore_mem>> -> memref<!tpu.dma_semaphore, #tpu.memory_space<semaphore_mem>>
        %dma_start3A_293 = arith.constant 0 : i32
        %dma_start3A_294 = arith.constant 0 : i32
        %dma_start3A_295 = tpu.memref_slice %arg6[%rem3A_282, %dma_start3A_293, %dma_start3A_294] : memref<8x2x128xi32, #tpu.memory_space<vmem>> -> memref<1x2x128xi32, #tpu.memory_space<vmem>>
        %dma_start3A_296 = tpu.memref_squeeze %dma_start3A_295 : memref<1x2x128xi32, #tpu.memory_space<vmem>> -> memref<2x128xi32, #tpu.memory_space<vmem>>
        %dma_start3A_297 = arith.constant 0 : i32
        %dma_start3A_298 = arith.constant 0 : i32
        %dma_start3A_299 = tpu.memref_slice %arg3[%add3A, %sub3A_280, %dma_start3A_297, %dma_start3A_298] : memref<32x80x2x128xi32, #tpu.memory_space<hbm>> -> memref<1x1x2x128xi32, #tpu.memory_space<hbm>>
        %dma_start3A_300 = tpu.memref_squeeze %dma_start3A_299 : memref<1x1x2x128xi32, #tpu.memory_space<hbm>> -> memref<2x128xi32, #tpu.memory_space<hbm>>
        tpu.enqueue_dma source(%dma_start3A_300 : memref<2x128xi32, #tpu.memory_space<hbm>>) target(%dma_start3A_296 : memref<2x128xi32, #tpu.memory_space<vmem>>) target_semaphore(%dma_start3A_292 : memref<!tpu.dma_semaphore, #tpu.memory_space<semaphore_mem>>)
      } else {
      }
      %add3A_236 = arith.constant 1 : i32
      %add3A_237 = arith.addi %scan3A_226, %add3A_236 : i32
      %lt3A_238 = arith.constant 80 : i32
      %lt3A_239 = arith.cmpi slt, %add3A_237, %lt3A_238 : i32
      %convert_element_type3A_240 = arith.extui %lt3A_239 : i1 to i32
      %cond3A_241 = arith.constant 0 : i32
      %cond3A_242 = arith.cmpi ne, %convert_element_type3A_240, %cond3A_241 : i32
      scf.if %cond3A_242 {
        %add3A_277 = arith.constant 1 : i32
        %add3A_278 = arith.addi %scan3A_226, %add3A_277 : i32
        %rem3A_279 = arith.constant 8 : i32
        %rem3A_280 = arith.remsi %add3A_278, %rem3A_279 : i32
        %dma_wait3A_281 = arith.constant 0 : i32
        %dma_wait3A_282 = arith.constant 0 : i32
        %dma_wait3A_283 = tpu.memref_slice %arg6[%rem3A_280, %dma_wait3A_281, %dma_wait3A_282] : memref<8x2x128xi32, #tpu.memory_space<vmem>> -> memref<1x2x128xi32, #tpu.memory_space<vmem>>
        %dma_wait3A_284 = tpu.memref_squeeze %dma_wait3A_283 : memref<1x2x128xi32, #tpu.memory_space<vmem>> -> memref<2x128xi32, #tpu.memory_space<vmem>>
        %dma_wait3A_285 = arith.constant 0 : i32
        %dma_wait3A_286 = arith.constant 0 : i32
        %dma_wait3A_287 = tpu.memref_slice %arg3[%add3A, %add3A_278, %dma_wait3A_285, %dma_wait3A_286] : memref<32x80x2x128xi32, #tpu.memory_space<hbm>> -> memref<1x1x2x128xi32, #tpu.memory_space<hbm>>
        %dma_wait3A_288 = tpu.memref_squeeze %dma_wait3A_287 : memref<1x1x2x128xi32, #tpu.memory_space<hbm>> -> memref<2x128xi32, #tpu.memory_space<hbm>>
        %dma_wait3A_289 = tpu.memref_slice %arg9[%rem3A_280] : memref<8x!tpu.dma_semaphore, #tpu.memory_space<semaphore_mem>> -> memref<1x!tpu.dma_semaphore, #tpu.memory_space<semaphore_mem>>
        %dma_wait3A_290 = tpu.memref_squeeze %dma_wait3A_289 : memref<1x!tpu.dma_semaphore, #tpu.memory_space<semaphore_mem>> -> memref<!tpu.dma_semaphore, #tpu.memory_space<semaphore_mem>>
        %dma_wait3A_291 = arith.constant 0 : i32
        %dma_wait3A_292 = arith.constant 0 : i32
        %dma_wait3A_293 = tpu.memref_slice %arg6[%rem3A_280, %dma_wait3A_291, %dma_wait3A_292] : memref<8x2x128xi32, #tpu.memory_space<vmem>> -> memref<1x2x128xi32, #tpu.memory_space<vmem>>
        %dma_wait3A_294 = tpu.memref_squeeze %dma_wait3A_293 : memref<1x2x128xi32, #tpu.memory_space<vmem>> -> memref<2x128xi32, #tpu.memory_space<vmem>>
        %dma_wait3A_295 = arith.constant 0 : i32
        %dma_wait3A_296 = arith.constant 0 : i32
        %dma_wait3A_297 = tpu.memref_slice %arg3[%add3A, %add3A_278, %dma_wait3A_295, %dma_wait3A_296] : memref<32x80x2x128xi32, #tpu.memory_space<hbm>> -> memref<1x1x2x128xi32, #tpu.memory_space<hbm>>
        %dma_wait3A_298 = tpu.memref_squeeze %dma_wait3A_297 : memref<1x1x2x128xi32, #tpu.memory_space<hbm>> -> memref<2x128xi32, #tpu.memory_space<hbm>>
        tpu.wait_dma2 semaphore(%dma_wait3A_290 : memref<!tpu.dma_semaphore, #tpu.memory_space<semaphore_mem>>) src(%dma_wait3A_298 : memref<2x128xi32, #tpu.memory_space<hbm>>) dst(%dma_wait3A_294 : memref<2x128xi32, #tpu.memory_space<vmem>>)
        %add3A_299 = arith.constant 1 : i32
        %add3A_300 = arith.addi %scan3A_226, %add3A_299 : i32
        %rem3A_301 = arith.constant 2 : i32
        %rem3A_302 = arith.remsi %add3A_300, %rem3A_301 : i32
        %rem3A_303 = arith.constant 8 : i32
        %rem3A_304 = arith.remsi %add3A_300, %rem3A_303 : i32
        %dma_start3A_305 = arith.constant 0 : i32
        %dma_start3A_306 = arith.constant 0 : i32
        %dma_start3A_307 = arith.constant 0 : i32
        %dma_start3A_308 = tpu.memref_slice %arg7[%rem3A_302, %dma_start3A_306, %dma_start3A_307] : memref<2x128x128xf32, #tpu.memory_space<vmem>> -> memref<1x128x128xf32, #tpu.memory_space<vmem>>
        %dma_start3A_309 = tpu.memref_squeeze %dma_start3A_308 : memref<1x128x128xf32, #tpu.memory_space<vmem>> -> memref<128x128xf32, #tpu.memory_space<vmem>>
        %dma_start3A_310 = arith.constant 0 : i32
        %dma_start3A_311 = tpu.memref_slice %arg6[%rem3A_304, %dma_start3A_305, %dma_start3A_310] : memref<8x2x128xi32, #tpu.memory_space<vmem>> -> memref<1x1x128xi32, #tpu.memory_space<vmem>>
        %dma_start3A_312 = tpu.memref_squeeze %dma_start3A_311 : memref<1x1x128xi32, #tpu.memory_space<vmem>> -> memref<128xi32, #tpu.memory_space<vmem>>
        %dma_start3A_313 = arith.constant 0 : i32
        %dma_start3A_314 = arith.constant 0 : i32
        %dma_start3A_315 = tpu.memref_slice %arg2[%dma_start3A_313, %dma_start3A_314] : memref<10000x128xf32, #tpu.memory_space<hbm>> -> memref<10000x128xf32, #tpu.memory_space<hbm>>
        %dma_start3A_316 = tpu.memref_slice %arg10[%rem3A_302] : memref<2x!tpu.dma_semaphore, #tpu.memory_space<semaphore_mem>> -> memref<1x!tpu.dma_semaphore, #tpu.memory_space<semaphore_mem>>
        %dma_start3A_317 = tpu.memref_squeeze %dma_start3A_316 : memref<1x!tpu.dma_semaphore, #tpu.memory_space<semaphore_mem>> -> memref<!tpu.dma_semaphore, #tpu.memory_space<semaphore_mem>>
        tpu.enqueue_indirect_dma source(%dma_start3A_315 : memref<10000x128xf32, #tpu.memory_space<hbm>>) target(%dma_start3A_309 : memref<128x128xf32, #tpu.memory_space<vmem>>) offsets(%dma_start3A_312 : memref<128xi32, #tpu.memory_space<vmem>>) semaphore(%dma_start3A_317 : memref<!tpu.dma_semaphore, #tpu.memory_space<semaphore_mem>>)
      } else {
      }
      %rem3A_243 = arith.constant 2 : i32
      %rem3A_244 = arith.remsi %scan3A_226, %rem3A_243 : i32
      %rem3A_245 = arith.constant 8 : i32
      %rem3A_246 = arith.remsi %scan3A_226, %rem3A_245 : i32
      %dma_wait3A_247 = arith.constant 0 : i32
      %dma_wait3A_248 = arith.constant 0 : i32
      %dma_wait3A_249 = arith.constant 0 : i32
      %dma_wait3A_250 = tpu.memref_slice %arg7[%rem3A_244, %dma_wait3A_248, %dma_wait3A_249] : memref<2x128x128xf32, #tpu.memory_space<vmem>> -> memref<1x128x128xf32, #tpu.memory_space<vmem>>
      %dma_wait3A_251 = tpu.memref_squeeze %dma_wait3A_250 : memref<1x128x128xf32, #tpu.memory_space<vmem>> -> memref<128x128xf32, #tpu.memory_space<vmem>>
      %dma_wait3A_252 = arith.constant 0 : i32
      %dma_wait3A_253 = tpu.memref_slice %arg6[%rem3A_246, %dma_wait3A_247, %dma_wait3A_252] : memref<8x2x128xi32, #tpu.memory_space<vmem>> -> memref<1x1x128xi32, #tpu.memory_space<vmem>>
      %dma_wait3A_254 = tpu.memref_squeeze %dma_wait3A_253 : memref<1x1x128xi32, #tpu.memory_space<vmem>> -> memref<128xi32, #tpu.memory_space<vmem>>
      %dma_wait3A_255 = arith.constant 0 : i32
      %dma_wait3A_256 = arith.constant 0 : i32
      %dma_wait3A_257 = tpu.memref_slice %arg2[%dma_wait3A_255, %dma_wait3A_256] : memref<10000x128xf32, #tpu.memory_space<hbm>> -> memref<10000x128xf32, #tpu.memory_space<hbm>>
      %dma_wait3A_258 = tpu.memref_slice %arg10[%rem3A_244] : memref<2x!tpu.dma_semaphore, #tpu.memory_space<semaphore_mem>> -> memref<1x!tpu.dma_semaphore, #tpu.memory_space<semaphore_mem>>
      %dma_wait3A_259 = tpu.memref_squeeze %dma_wait3A_258 : memref<1x!tpu.dma_semaphore, #tpu.memory_space<semaphore_mem>> -> memref<!tpu.dma_semaphore, #tpu.memory_space<semaphore_mem>>
      tpu.wait_indirect_dma semaphore(%dma_wait3A_259 : memref<!tpu.dma_semaphore, #tpu.memory_space<semaphore_mem>>) src(%dma_wait3A_257 : memref<10000x128xf32, #tpu.memory_space<hbm>>) dst(%dma_wait3A_251 : memref<128x128xf32, #tpu.memory_space<vmem>>)
      %rem3A_260 = arith.constant 2 : i32
      %rem3A_261 = arith.remsi %scan3A_226, %rem3A_260 : i32
      %rem3A_262 = arith.constant 8 : i32
      %rem3A_263 = arith.remsi %scan3A_226, %rem3A_262 : i32
      %dma_start3A_264 = arith.constant 1 : i32
      %dma_start3A_265 = arith.constant 0 : i32
      %dma_start3A_266 = arith.constant 0 : i32
      %dma_start3A_267 = tpu.memref_slice %arg7[%rem3A_261, %dma_start3A_265, %dma_start3A_266] : memref<2x128x128xf32, #tpu.memory_space<vmem>> -> memref<1x128x128xf32, #tpu.memory_space<vmem>>
      %dma_start3A_268 = tpu.memref_squeeze %dma_start3A_267 : memref<1x128x128xf32, #tpu.memory_space<vmem>> -> memref<128x128xf32, #tpu.memory_space<vmem>>
      %dma_start3A_269 = arith.constant 0 : i32
      %dma_start3A_270 = tpu.memref_slice %arg6[%rem3A_263, %dma_start3A_264, %dma_start3A_269] : memref<8x2x128xi32, #tpu.memory_space<vmem>> -> memref<1x1x128xi32, #tpu.memory_space<vmem>>
      %dma_start3A_271 = tpu.memref_squeeze %dma_start3A_270 : memref<1x1x128xi32, #tpu.memory_space<vmem>> -> memref<128xi32, #tpu.memory_space<vmem>>
      %dma_start3A_272 = arith.constant 0 : i32
      %dma_start3A_273 = arith.constant 0 : i32
      %dma_start3A_274 = tpu.memref_slice %arg8[%dma_start3A_272, %dma_start3A_273] : memref<10240x128xf32, #tpu.memory_space<vmem_shared>> -> memref<10240x128xf32, #tpu.memory_space<vmem_shared>>
      %dma_start3A_275 = tpu.memref_slice %arg11[%rem3A_261] : memref<2x!tpu.dma_semaphore, #tpu.memory_space<semaphore_mem>> -> memref<1x!tpu.dma_semaphore, #tpu.memory_space<semaphore_mem>>
      %dma_start3A_276 = tpu.memref_squeeze %dma_start3A_275 : memref<1x!tpu.dma_semaphore, #tpu.memory_space<semaphore_mem>> -> memref<!tpu.dma_semaphore, #tpu.memory_space<semaphore_mem>>
      tpu.enqueue_indirect_dma source(%dma_start3A_268 : memref<128x128xf32, #tpu.memory_space<vmem>>) target(%dma_start3A_274 : memref<10240x128xf32, #tpu.memory_space<vmem_shared>>) offsets(%dma_start3A_271 : memref<128xi32, #tpu.memory_space<vmem>>) semaphore(%dma_start3A_276 : memref<!tpu.dma_semaphore, #tpu.memory_space<semaphore_mem>>) {add = true}
    }
    %scan3A_201 = arith.constant 80 : i32
    %rem3A_202 = arith.constant 79 : i32
    %rem3A_203 = arith.constant 2 : i32
    %rem3A_204 = arith.remsi %rem3A_202, %rem3A_203 : i32
    %rem3A_205 = arith.constant 79 : i32
    %rem3A_206 = arith.constant 8 : i32
    %rem3A_207 = arith.remsi %rem3A_205, %rem3A_206 : i32
    %dma_wait3A_208 = arith.constant 1 : i32
    %dma_wait3A_209 = arith.constant 0 : i32
    %dma_wait3A_210 = arith.constant 0 : i32
    %dma_wait3A_211 = tpu.memref_slice %arg7[%rem3A_204, %dma_wait3A_209, %dma_wait3A_210] : memref<2x128x128xf32, #tpu.memory_space<vmem>> -> memref<1x128x128xf32, #tpu.memory_space<vmem>>
    %dma_wait3A_212 = tpu.memref_squeeze %dma_wait3A_211 : memref<1x128x128xf32, #tpu.memory_space<vmem>> -> memref<128x128xf32, #tpu.memory_space<vmem>>
    %dma_wait3A_213 = arith.constant 0 : i32
    %dma_wait3A_214 = tpu.memref_slice %arg6[%rem3A_207, %dma_wait3A_208, %dma_wait3A_213] : memref<8x2x128xi32, #tpu.memory_space<vmem>> -> memref<1x1x128xi32, #tpu.memory_space<vmem>>
    %dma_wait3A_215 = tpu.memref_squeeze %dma_wait3A_214 : memref<1x1x128xi32, #tpu.memory_space<vmem>> -> memref<128xi32, #tpu.memory_space<vmem>>
    %dma_wait3A_216 = arith.constant 0 : i32
    %dma_wait3A_217 = arith.constant 0 : i32
    %dma_wait3A_218 = tpu.memref_slice %arg8[%dma_wait3A_216, %dma_wait3A_217] : memref<10240x128xf32, #tpu.memory_space<vmem_shared>> -> memref<10240x128xf32, #tpu.memory_space<vmem_shared>>
    %dma_wait3A_219 = tpu.memref_slice %arg11[%rem3A_204] : memref<2x!tpu.dma_semaphore, #tpu.memory_space<semaphore_mem>> -> memref<1x!tpu.dma_semaphore, #tpu.memory_space<semaphore_mem>>
    %dma_wait3A_220 = tpu.memref_squeeze %dma_wait3A_219 : memref<1x!tpu.dma_semaphore, #tpu.memory_space<semaphore_mem>> -> memref<!tpu.dma_semaphore, #tpu.memory_space<semaphore_mem>>
    tpu.wait_indirect_dma semaphore(%dma_wait3A_220 : memref<!tpu.dma_semaphore, #tpu.memory_space<semaphore_mem>>) src(%dma_wait3A_212 : memref<128x128xf32, #tpu.memory_space<vmem>>) dst(%dma_wait3A_218 : memref<10240x128xf32, #tpu.memory_space<vmem_shared>>)
    %barrier3A_221 = arith.constant 0 : index
    tpu.barrier barrier_id(%barrier3A_221)
    %mul3A_222 = arith.constant 640 : i32
    %mul3A_223 = arith.muli %arg1, %mul3A_222 : i32
    %mul3A_224 = arith.constant 640 : i32
    %mul3A_225 = arith.muli %arg1, %mul3A_224 : i32
    "tpu.region"() ({
      %run_scoped3A = tpu.sem_alloc : memref<!tpu.dma_semaphore, #tpu.memory_space<semaphore_mem>>
      %dma_start3A_226 = arith.constant 0 : i32
      %dma_start3A_227 = tpu.memref_slice %arg5[%arg0, %mul3A_225, %dma_start3A_226] : memref<2x10240x128xf32, #tpu.memory_space<hbm>> -> memref<1x640x128xf32, #tpu.memory_space<hbm>>
      %dma_start3A_228 = tpu.memref_squeeze %dma_start3A_227 : memref<1x640x128xf32, #tpu.memory_space<hbm>> -> memref<640x128xf32, #tpu.memory_space<hbm>>
      %dma_start3A_229 = arith.constant 0 : i32
      %dma_start3A_230 = tpu.memref_slice %arg8[%mul3A_223, %dma_start3A_229] : memref<10240x128xf32, #tpu.memory_space<vmem_shared>> -> memref<640x128xf32, #tpu.memory_space<vmem_shared>>
      tpu.enqueue_dma source(%dma_start3A_230 : memref<640x128xf32, #tpu.memory_space<vmem_shared>>) target(%dma_start3A_228 : memref<640x128xf32, #tpu.memory_space<hbm>>) target_semaphore(%run_scoped3A : memref<!tpu.dma_semaphore, #tpu.memory_space<semaphore_mem>>)
      %dma_wait3A_231 = arith.constant 0 : i32
      %dma_wait3A_232 = tpu.memref_slice %arg5[%arg0, %mul3A_225, %dma_wait3A_231] : memref<2x10240x128xf32, #tpu.memory_space<hbm>> -> memref<1x640x128xf32, #tpu.memory_space<hbm>>
      %dma_wait3A_233 = tpu.memref_squeeze %dma_wait3A_232 : memref<1x640x128xf32, #tpu.memory_space<hbm>> -> memref<640x128xf32, #tpu.memory_space<hbm>>
      %dma_wait3A_234 = arith.constant 0 : i32
      %dma_wait3A_235 = tpu.memref_slice %arg8[%mul3A_223, %dma_wait3A_234] : memref<10240x128xf32, #tpu.memory_space<vmem_shared>> -> memref<640x128xf32, #tpu.memory_space<vmem_shared>>
      tpu.wait_dma2 semaphore(%run_scoped3A : memref<!tpu.dma_semaphore, #tpu.memory_space<semaphore_mem>>) src(%dma_wait3A_235 : memref<640x128xf32, #tpu.memory_space<vmem_shared>>) dst(%dma_wait3A_233 : memref<640x128xf32, #tpu.memory_space<hbm>>)
      tpu.yield
    }) : () -> ()
    return
  }
}

#map = affine_map<(d0, d1) -> (0, 0)>
#map1 = affine_map<(d0, d1) -> (0, 0, 0, 0)>
#map2 = affine_map<(d0, d1) -> (0, 0, 0)>
module attributes {stable_mosaic.version = 14 : i64} {
  func.func @k(%arg0: i32, %arg1: i32, %arg2: memref<10000x128xf32, #tpu.memory_space<hbm>>, %arg3: memref<32x80x2x128xi32, #tpu.memory_space<hbm>>, %arg4: memref<10240x128xf32, #tpu.memory_space<hbm>>, %arg5: memref<2x10240x128xf32, #tpu.memory_space<hbm>>, %arg6: memref<8x2x128xi32, #tpu.memory_space<vmem>>, %arg7: memref<2x128x128xf32, #tpu.memory_space<vmem>>, %arg8: memref<10240x128xf32, #tpu.memory_space<vmem_shared>>, %arg9: memref<8x!tpu.dma_semaphore, #tpu.memory_space<semaphore_mem>>, %arg10: memref<2x!tpu.dma_semaphore, #tpu.memory_space<semaphore_mem>>, %arg11: memref<2x!tpu.dma_semaphore, #tpu.memory_space<semaphore_mem>>) attributes {dimension_semantics = [#tpu.dimension_semantics<core_parallel>, #tpu.dimension_semantics<subcore_parallel>], iteration_bounds = array<i64: 2, 16>, scalar_prefetch = 0 : i64, scratch_operands = 6 : i64, tpu.core_type = #tpu.core_type<sc_vector_subcore>, window_params = [{transform_indices = #map}, {transform_indices = #map1}, {transform_indices = #map}, {transform_indices = #map2}]} {
    %mul3A = arith.constant 16 : i32
    %mul3A_0 = arith.muli %arg0, %mul3A : i32
    %add3A = arith.addi %mul3A_0, %arg1 : i32
    %rem3A = arith.constant 0 : i32
    %rem3A_1 = arith.constant 8 : i32
    %rem3A_2 = arith.remsi %rem3A, %rem3A_1 : i32
    %dma_start3A = arith.constant 0 : i32
    %dma_start3A_3 = arith.constant 0 : i32
    %dma_start3A_4 = arith.constant 0 : i32
    %dma_start3A_5 = tpu.memref_slice %arg6[%rem3A_2, %dma_start3A_3, %dma_start3A_4] : memref<8x2x128xi32, #tpu.memory_space<vmem>> -> memref<1x2x128xi32, #tpu.memory_space<vmem>>
    %dma_start3A_6 = tpu.memref_squeeze %dma_start3A_5 : memref<1x2x128xi32, #tpu.memory_space<vmem>> -> memref<2x128xi32, #tpu.memory_space<vmem>>
    %dma_start3A_7 = arith.constant 0 : i32
    %dma_start3A_8 = arith.constant 0 : i32
    %dma_start3A_9 = tpu.memref_slice %arg3[%add3A, %dma_start3A, %dma_start3A_7, %dma_start3A_8] : memref<32x80x2x128xi32, #tpu.memory_space<hbm>> -> memref<1x1x2x128xi32, #tpu.memory_space<hbm>>
    %dma_start3A_10 = tpu.memref_squeeze %dma_start3A_9 : memref<1x1x2x128xi32, #tpu.memory_space<hbm>> -> memref<2x128xi32, #tpu.memory_space<hbm>>
    %dma_start3A_11 = tpu.memref_slice %arg9[%rem3A_2] : memref<8x!tpu.dma_semaphore, #tpu.memory_space<semaphore_mem>> -> memref<1x!tpu.dma_semaphore, #tpu.memory_space<semaphore_mem>>
    %dma_start3A_12 = tpu.memref_squeeze %dma_start3A_11 : memref<1x!tpu.dma_semaphore, #tpu.memory_space<semaphore_mem>> -> memref<!tpu.dma_semaphore, #tpu.memory_space<semaphore_mem>>
    %dma_start3A_13 = arith.constant 0 : i32
    %dma_start3A_14 = arith.constant 0 : i32
    %dma_start3A_15 = tpu.memref_slice %arg6[%rem3A_2, %dma_start3A_13, %dma_start3A_14] : memref<8x2x128xi32, #tpu.memory_space<vmem>> -> memref<1x2x128xi32, #tpu.memory_space<vmem>>
    %dma_start3A_16 = tpu.memref_squeeze %dma_start3A_15 : memref<1x2x128xi32, #tpu.memory_space<vmem>> -> memref<2x128xi32, #tpu.memory_space<vmem>>
    %dma_start3A_17 = arith.constant 0 : i32
    %dma_start3A_18 = arith.constant 0 : i32
    %dma_start3A_19 = tpu.memref_slice %arg3[%add3A, %dma_start3A, %dma_start3A_17, %dma_start3A_18] : memref<32x80x2x128xi32, #tpu.memory_space<hbm>> -> memref<1x1x2x128xi32, #tpu.memory_space<hbm>>
    %dma_start3A_20 = tpu.memref_squeeze %dma_start3A_19 : memref<1x1x2x128xi32, #tpu.memory_space<hbm>> -> memref<2x128xi32, #tpu.memory_space<hbm>>
    tpu.enqueue_dma source(%dma_start3A_20 : memref<2x128xi32, #tpu.memory_space<hbm>>) target(%dma_start3A_16 : memref<2x128xi32, #tpu.memory_space<vmem>>) target_semaphore(%dma_start3A_12 : memref<!tpu.dma_semaphore, #tpu.memory_space<semaphore_mem>>)
    %rem3A_21 = arith.constant 1 : i32
    %rem3A_22 = arith.constant 8 : i32
    %rem3A_23 = arith.remsi %rem3A_21, %rem3A_22 : i32
    %dma_start3A_24 = arith.constant 1 : i32
    %dma_start3A_25 = arith.constant 0 : i32
    %dma_start3A_26 = arith.constant 0 : i32
    %dma_start3A_27 = tpu.memref_slice %arg6[%rem3A_23, %dma_start3A_25, %dma_start3A_26] : memref<8x2x128xi32, #tpu.memory_space<vmem>> -> memref<1x2x128xi32, #tpu.memory_space<vmem>>
    %dma_start3A_28 = tpu.memref_squeeze %dma_start3A_27 : memref<1x2x128xi32, #tpu.memory_space<vmem>> -> memref<2x128xi32, #tpu.memory_space<vmem>>
    %dma_start3A_29 = arith.constant 0 : i32
    %dma_start3A_30 = arith.constant 0 : i32
    %dma_start3A_31 = tpu.memref_slice %arg3[%add3A, %dma_start3A_24, %dma_start3A_29, %dma_start3A_30] : memref<32x80x2x128xi32, #tpu.memory_space<hbm>> -> memref<1x1x2x128xi32, #tpu.memory_space<hbm>>
    %dma_start3A_32 = tpu.memref_squeeze %dma_start3A_31 : memref<1x1x2x128xi32, #tpu.memory_space<hbm>> -> memref<2x128xi32, #tpu.memory_space<hbm>>
    %dma_start3A_33 = tpu.memref_slice %arg9[%rem3A_23] : memref<8x!tpu.dma_semaphore, #tpu.memory_space<semaphore_mem>> -> memref<1x!tpu.dma_semaphore, #tpu.memory_space<semaphore_mem>>
    %dma_start3A_34 = tpu.memref_squeeze %dma_start3A_33 : memref<1x!tpu.dma_semaphore, #tpu.memory_space<semaphore_mem>> -> memref<!tpu.dma_semaphore, #tpu.memory_space<semaphore_mem>>
    %dma_start3A_35 = arith.constant 0 : i32
    %dma_start3A_36 = arith.constant 0 : i32
    %dma_start3A_37 = tpu.memref_slice %arg6[%rem3A_23, %dma_start3A_35, %dma_start3A_36] : memref<8x2x128xi32, #tpu.memory_space<vmem>> -> memref<1x2x128xi32, #tpu.memory_space<vmem>>
    %dma_start3A_38 = tpu.memref_squeeze %dma_start3A_37 : memref<1x2x128xi32, #tpu.memory_space<vmem>> -> memref<2x128xi32, #tpu.memory_space<vmem>>
    %dma_start3A_39 = arith.constant 0 : i32
    %dma_start3A_40 = arith.constant 0 : i32
    %dma_start3A_41 = tpu.memref_slice %arg3[%add3A, %dma_start3A_24, %dma_start3A_39, %dma_start3A_40] : memref<32x80x2x128xi32, #tpu.memory_space<hbm>> -> memref<1x1x2x128xi32, #tpu.memory_space<hbm>>
    %dma_start3A_42 = tpu.memref_squeeze %dma_start3A_41 : memref<1x1x2x128xi32, #tpu.memory_space<hbm>> -> memref<2x128xi32, #tpu.memory_space<hbm>>
    tpu.enqueue_dma source(%dma_start3A_42 : memref<2x128xi32, #tpu.memory_space<hbm>>) target(%dma_start3A_38 : memref<2x128xi32, #tpu.memory_space<vmem>>) target_semaphore(%dma_start3A_34 : memref<!tpu.dma_semaphore, #tpu.memory_space<semaphore_mem>>)
    %rem3A_43 = arith.constant 2 : i32
    %rem3A_44 = arith.constant 8 : i32
    %rem3A_45 = arith.remsi %rem3A_43, %rem3A_44 : i32
    %dma_start3A_46 = arith.constant 2 : i32
    %dma_start3A_47 = arith.constant 0 : i32
    %dma_start3A_48 = arith.constant 0 : i32
    %dma_start3A_49 = tpu.memref_slice %arg6[%rem3A_45, %dma_start3A_47, %dma_start3A_48] : memref<8x2x128xi32, #tpu.memory_space<vmem>> -> memref<1x2x128xi32, #tpu.memory_space<vmem>>
    %dma_start3A_50 = tpu.memref_squeeze %dma_start3A_49 : memref<1x2x128xi32, #tpu.memory_space<vmem>> -> memref<2x128xi32, #tpu.memory_space<vmem>>
    %dma_start3A_51 = arith.constant 0 : i32
    %dma_start3A_52 = arith.constant 0 : i32
    %dma_start3A_53 = tpu.memref_slice %arg3[%add3A, %dma_start3A_46, %dma_start3A_51, %dma_start3A_52] : memref<32x80x2x128xi32, #tpu.memory_space<hbm>> -> memref<1x1x2x128xi32, #tpu.memory_space<hbm>>
    %dma_start3A_54 = tpu.memref_squeeze %dma_start3A_53 : memref<1x1x2x128xi32, #tpu.memory_space<hbm>> -> memref<2x128xi32, #tpu.memory_space<hbm>>
    %dma_start3A_55 = tpu.memref_slice %arg9[%rem3A_45] : memref<8x!tpu.dma_semaphore, #tpu.memory_space<semaphore_mem>> -> memref<1x!tpu.dma_semaphore, #tpu.memory_space<semaphore_mem>>
    %dma_start3A_56 = tpu.memref_squeeze %dma_start3A_55 : memref<1x!tpu.dma_semaphore, #tpu.memory_space<semaphore_mem>> -> memref<!tpu.dma_semaphore, #tpu.memory_space<semaphore_mem>>
    %dma_start3A_57 = arith.constant 0 : i32
    %dma_start3A_58 = arith.constant 0 : i32
    %dma_start3A_59 = tpu.memref_slice %arg6[%rem3A_45, %dma_start3A_57, %dma_start3A_58] : memref<8x2x128xi32, #tpu.memory_space<vmem>> -> memref<1x2x128xi32, #tpu.memory_space<vmem>>
    %dma_start3A_60 = tpu.memref_squeeze %dma_start3A_59 : memref<1x2x128xi32, #tpu.memory_space<vmem>> -> memref<2x128xi32, #tpu.memory_space<vmem>>
    %dma_start3A_61 = arith.constant 0 : i32
    %dma_start3A_62 = arith.constant 0 : i32
    %dma_start3A_63 = tpu.memref_slice %arg3[%add3A, %dma_start3A_46, %dma_start3A_61, %dma_start3A_62] : memref<32x80x2x128xi32, #tpu.memory_space<hbm>> -> memref<1x1x2x128xi32, #tpu.memory_space<hbm>>
    %dma_start3A_64 = tpu.memref_squeeze %dma_start3A_63 : memref<1x1x2x128xi32, #tpu.memory_space<hbm>> -> memref<2x128xi32, #tpu.memory_space<hbm>>
    tpu.enqueue_dma source(%dma_start3A_64 : memref<2x128xi32, #tpu.memory_space<hbm>>) target(%dma_start3A_60 : memref<2x128xi32, #tpu.memory_space<vmem>>) target_semaphore(%dma_start3A_56 : memref<!tpu.dma_semaphore, #tpu.memory_space<semaphore_mem>>)
    %rem3A_65 = arith.constant 3 : i32
    %rem3A_66 = arith.constant 8 : i32
    %rem3A_67 = arith.remsi %rem3A_65, %rem3A_66 : i32
    %dma_start3A_68 = arith.constant 3 : i32
    %dma_start3A_69 = arith.constant 0 : i32
    %dma_start3A_70 = arith.constant 0 : i32
    %dma_start3A_71 = tpu.memref_slice %arg6[%rem3A_67, %dma_start3A_69, %dma_start3A_70] : memref<8x2x128xi32, #tpu.memory_space<vmem>> -> memref<1x2x128xi32, #tpu.memory_space<vmem>>
    %dma_start3A_72 = tpu.memref_squeeze %dma_start3A_71 : memref<1x2x128xi32, #tpu.memory_space<vmem>> -> memref<2x128xi32, #tpu.memory_space<vmem>>
    %dma_start3A_73 = arith.constant 0 : i32
    %dma_start3A_74 = arith.constant 0 : i32
    %dma_start3A_75 = tpu.memref_slice %arg3[%add3A, %dma_start3A_68, %dma_start3A_73, %dma_start3A_74] : memref<32x80x2x128xi32, #tpu.memory_space<hbm>> -> memref<1x1x2x128xi32, #tpu.memory_space<hbm>>
    %dma_start3A_76 = tpu.memref_squeeze %dma_start3A_75 : memref<1x1x2x128xi32, #tpu.memory_space<hbm>> -> memref<2x128xi32, #tpu.memory_space<hbm>>
    %dma_start3A_77 = tpu.memref_slice %arg9[%rem3A_67] : memref<8x!tpu.dma_semaphore, #tpu.memory_space<semaphore_mem>> -> memref<1x!tpu.dma_semaphore, #tpu.memory_space<semaphore_mem>>
    %dma_start3A_78 = tpu.memref_squeeze %dma_start3A_77 : memref<1x!tpu.dma_semaphore, #tpu.memory_space<semaphore_mem>> -> memref<!tpu.dma_semaphore, #tpu.memory_space<semaphore_mem>>
    %dma_start3A_79 = arith.constant 0 : i32
    %dma_start3A_80 = arith.constant 0 : i32
    %dma_start3A_81 = tpu.memref_slice %arg6[%rem3A_67, %dma_start3A_79, %dma_start3A_80] : memref<8x2x128xi32, #tpu.memory_space<vmem>> -> memref<1x2x128xi32, #tpu.memory_space<vmem>>
    %dma_start3A_82 = tpu.memref_squeeze %dma_start3A_81 : memref<1x2x128xi32, #tpu.memory_space<vmem>> -> memref<2x128xi32, #tpu.memory_space<vmem>>
    %dma_start3A_83 = arith.constant 0 : i32
    %dma_start3A_84 = arith.constant 0 : i32
    %dma_start3A_85 = tpu.memref_slice %arg3[%add3A, %dma_start3A_68, %dma_start3A_83, %dma_start3A_84] : memref<32x80x2x128xi32, #tpu.memory_space<hbm>> -> memref<1x1x2x128xi32, #tpu.memory_space<hbm>>
    %dma_start3A_86 = tpu.memref_squeeze %dma_start3A_85 : memref<1x1x2x128xi32, #tpu.memory_space<hbm>> -> memref<2x128xi32, #tpu.memory_space<hbm>>
    tpu.enqueue_dma source(%dma_start3A_86 : memref<2x128xi32, #tpu.memory_space<hbm>>) target(%dma_start3A_82 : memref<2x128xi32, #tpu.memory_space<vmem>>) target_semaphore(%dma_start3A_78 : memref<!tpu.dma_semaphore, #tpu.memory_space<semaphore_mem>>)
    %rem3A_87 = arith.constant 4 : i32
    %rem3A_88 = arith.constant 8 : i32
    %rem3A_89 = arith.remsi %rem3A_87, %rem3A_88 : i32
    %dma_start3A_90 = arith.constant 4 : i32
    %dma_start3A_91 = arith.constant 0 : i32
    %dma_start3A_92 = arith.constant 0 : i32
    %dma_start3A_93 = tpu.memref_slice %arg6[%rem3A_89, %dma_start3A_91, %dma_start3A_92] : memref<8x2x128xi32, #tpu.memory_space<vmem>> -> memref<1x2x128xi32, #tpu.memory_space<vmem>>
    %dma_start3A_94 = tpu.memref_squeeze %dma_start3A_93 : memref<1x2x128xi32, #tpu.memory_space<vmem>> -> memref<2x128xi32, #tpu.memory_space<vmem>>
    %dma_start3A_95 = arith.constant 0 : i32
    %dma_start3A_96 = arith.constant 0 : i32
    %dma_start3A_97 = tpu.memref_slice %arg3[%add3A, %dma_start3A_90, %dma_start3A_95, %dma_start3A_96] : memref<32x80x2x128xi32, #tpu.memory_space<hbm>> -> memref<1x1x2x128xi32, #tpu.memory_space<hbm>>
    %dma_start3A_98 = tpu.memref_squeeze %dma_start3A_97 : memref<1x1x2x128xi32, #tpu.memory_space<hbm>> -> memref<2x128xi32, #tpu.memory_space<hbm>>
    %dma_start3A_99 = tpu.memref_slice %arg9[%rem3A_89] : memref<8x!tpu.dma_semaphore, #tpu.memory_space<semaphore_mem>> -> memref<1x!tpu.dma_semaphore, #tpu.memory_space<semaphore_mem>>
    %dma_start3A_100 = tpu.memref_squeeze %dma_start3A_99 : memref<1x!tpu.dma_semaphore, #tpu.memory_space<semaphore_mem>> -> memref<!tpu.dma_semaphore, #tpu.memory_space<semaphore_mem>>
    %dma_start3A_101 = arith.constant 0 : i32
    %dma_start3A_102 = arith.constant 0 : i32
    %dma_start3A_103 = tpu.memref_slice %arg6[%rem3A_89, %dma_start3A_101, %dma_start3A_102] : memref<8x2x128xi32, #tpu.memory_space<vmem>> -> memref<1x2x128xi32, #tpu.memory_space<vmem>>
    %dma_start3A_104 = tpu.memref_squeeze %dma_start3A_103 : memref<1x2x128xi32, #tpu.memory_space<vmem>> -> memref<2x128xi32, #tpu.memory_space<vmem>>
    %dma_start3A_105 = arith.constant 0 : i32
    %dma_start3A_106 = arith.constant 0 : i32
    %dma_start3A_107 = tpu.memref_slice %arg3[%add3A, %dma_start3A_90, %dma_start3A_105, %dma_start3A_106] : memref<32x80x2x128xi32, #tpu.memory_space<hbm>> -> memref<1x1x2x128xi32, #tpu.memory_space<hbm>>
    %dma_start3A_108 = tpu.memref_squeeze %dma_start3A_107 : memref<1x1x2x128xi32, #tpu.memory_space<hbm>> -> memref<2x128xi32, #tpu.memory_space<hbm>>
    tpu.enqueue_dma source(%dma_start3A_108 : memref<2x128xi32, #tpu.memory_space<hbm>>) target(%dma_start3A_104 : memref<2x128xi32, #tpu.memory_space<vmem>>) target_semaphore(%dma_start3A_100 : memref<!tpu.dma_semaphore, #tpu.memory_space<semaphore_mem>>)
    %rem3A_109 = arith.constant 5 : i32
    %rem3A_110 = arith.constant 8 : i32
    %rem3A_111 = arith.remsi %rem3A_109, %rem3A_110 : i32
    %dma_start3A_112 = arith.constant 5 : i32
    %dma_start3A_113 = arith.constant 0 : i32
    %dma_start3A_114 = arith.constant 0 : i32
    %dma_start3A_115 = tpu.memref_slice %arg6[%rem3A_111, %dma_start3A_113, %dma_start3A_114] : memref<8x2x128xi32, #tpu.memory_space<vmem>> -> memref<1x2x128xi32, #tpu.memory_space<vmem>>
    %dma_start3A_116 = tpu.memref_squeeze %dma_start3A_115 : memref<1x2x128xi32, #tpu.memory_space<vmem>> -> memref<2x128xi32, #tpu.memory_space<vmem>>
    %dma_start3A_117 = arith.constant 0 : i32
    %dma_start3A_118 = arith.constant 0 : i32
    %dma_start3A_119 = tpu.memref_slice %arg3[%add3A, %dma_start3A_112, %dma_start3A_117, %dma_start3A_118] : memref<32x80x2x128xi32, #tpu.memory_space<hbm>> -> memref<1x1x2x128xi32, #tpu.memory_space<hbm>>
    %dma_start3A_120 = tpu.memref_squeeze %dma_start3A_119 : memref<1x1x2x128xi32, #tpu.memory_space<hbm>> -> memref<2x128xi32, #tpu.memory_space<hbm>>
    %dma_start3A_121 = tpu.memref_slice %arg9[%rem3A_111] : memref<8x!tpu.dma_semaphore, #tpu.memory_space<semaphore_mem>> -> memref<1x!tpu.dma_semaphore, #tpu.memory_space<semaphore_mem>>
    %dma_start3A_122 = tpu.memref_squeeze %dma_start3A_121 : memref<1x!tpu.dma_semaphore, #tpu.memory_space<semaphore_mem>> -> memref<!tpu.dma_semaphore, #tpu.memory_space<semaphore_mem>>
    %dma_start3A_123 = arith.constant 0 : i32
    %dma_start3A_124 = arith.constant 0 : i32
    %dma_start3A_125 = tpu.memref_slice %arg6[%rem3A_111, %dma_start3A_123, %dma_start3A_124] : memref<8x2x128xi32, #tpu.memory_space<vmem>> -> memref<1x2x128xi32, #tpu.memory_space<vmem>>
    %dma_start3A_126 = tpu.memref_squeeze %dma_start3A_125 : memref<1x2x128xi32, #tpu.memory_space<vmem>> -> memref<2x128xi32, #tpu.memory_space<vmem>>
    %dma_start3A_127 = arith.constant 0 : i32
    %dma_start3A_128 = arith.constant 0 : i32
    %dma_start3A_129 = tpu.memref_slice %arg3[%add3A, %dma_start3A_112, %dma_start3A_127, %dma_start3A_128] : memref<32x80x2x128xi32, #tpu.memory_space<hbm>> -> memref<1x1x2x128xi32, #tpu.memory_space<hbm>>
    %dma_start3A_130 = tpu.memref_squeeze %dma_start3A_129 : memref<1x1x2x128xi32, #tpu.memory_space<hbm>> -> memref<2x128xi32, #tpu.memory_space<hbm>>
    tpu.enqueue_dma source(%dma_start3A_130 : memref<2x128xi32, #tpu.memory_space<hbm>>) target(%dma_start3A_126 : memref<2x128xi32, #tpu.memory_space<vmem>>) target_semaphore(%dma_start3A_122 : memref<!tpu.dma_semaphore, #tpu.memory_space<semaphore_mem>>)
    %rem3A_131 = arith.constant 6 : i32
    %rem3A_132 = arith.constant 8 : i32
    %rem3A_133 = arith.remsi %rem3A_131, %rem3A_132 : i32
    %dma_start3A_134 = arith.constant 6 : i32
    %dma_start3A_135 = arith.constant 0 : i32
    %dma_start3A_136 = arith.constant 0 : i32
    %dma_start3A_137 = tpu.memref_slice %arg6[%rem3A_133, %dma_start3A_135, %dma_start3A_136] : memref<8x2x128xi32, #tpu.memory_space<vmem>> -> memref<1x2x128xi32, #tpu.memory_space<vmem>>
    %dma_start3A_138 = tpu.memref_squeeze %dma_start3A_137 : memref<1x2x128xi32, #tpu.memory_space<vmem>> -> memref<2x128xi32, #tpu.memory_space<vmem>>
    %dma_start3A_139 = arith.constant 0 : i32
    %dma_start3A_140 = arith.constant 0 : i32
    %dma_start3A_141 = tpu.memref_slice %arg3[%add3A, %dma_start3A_134, %dma_start3A_139, %dma_start3A_140] : memref<32x80x2x128xi32, #tpu.memory_space<hbm>> -> memref<1x1x2x128xi32, #tpu.memory_space<hbm>>
    %dma_start3A_142 = tpu.memref_squeeze %dma_start3A_141 : memref<1x1x2x128xi32, #tpu.memory_space<hbm>> -> memref<2x128xi32, #tpu.memory_space<hbm>>
    %dma_start3A_143 = tpu.memref_slice %arg9[%rem3A_133] : memref<8x!tpu.dma_semaphore, #tpu.memory_space<semaphore_mem>> -> memref<1x!tpu.dma_semaphore, #tpu.memory_space<semaphore_mem>>
    %dma_start3A_144 = tpu.memref_squeeze %dma_start3A_143 : memref<1x!tpu.dma_semaphore, #tpu.memory_space<semaphore_mem>> -> memref<!tpu.dma_semaphore, #tpu.memory_space<semaphore_mem>>
    %dma_start3A_145 = arith.constant 0 : i32
    %dma_start3A_146 = arith.constant 0 : i32
    %dma_start3A_147 = tpu.memref_slice %arg6[%rem3A_133, %dma_start3A_145, %dma_start3A_146] : memref<8x2x128xi32, #tpu.memory_space<vmem>> -> memref<1x2x128xi32, #tpu.memory_space<vmem>>
    %dma_start3A_148 = tpu.memref_squeeze %dma_start3A_147 : memref<1x2x128xi32, #tpu.memory_space<vmem>> -> memref<2x128xi32, #tpu.memory_space<vmem>>
    %dma_start3A_149 = arith.constant 0 : i32
    %dma_start3A_150 = arith.constant 0 : i32
    %dma_start3A_151 = tpu.memref_slice %arg3[%add3A, %dma_start3A_134, %dma_start3A_149, %dma_start3A_150] : memref<32x80x2x128xi32, #tpu.memory_space<hbm>> -> memref<1x1x2x128xi32, #tpu.memory_space<hbm>>
    %dma_start3A_152 = tpu.memref_squeeze %dma_start3A_151 : memref<1x1x2x128xi32, #tpu.memory_space<hbm>> -> memref<2x128xi32, #tpu.memory_space<hbm>>
    tpu.enqueue_dma source(%dma_start3A_152 : memref<2x128xi32, #tpu.memory_space<hbm>>) target(%dma_start3A_148 : memref<2x128xi32, #tpu.memory_space<vmem>>) target_semaphore(%dma_start3A_144 : memref<!tpu.dma_semaphore, #tpu.memory_space<semaphore_mem>>)
    %mul3A_153 = arith.constant 640 : i32
    %mul3A_154 = arith.muli %arg1, %mul3A_153 : i32
    %mul3A_155 = arith.constant 640 : i32
    %mul3A_156 = arith.muli %arg1, %mul3A_155 : i32
    "tpu.region"() ({
      %run_scoped3A = tpu.sem_alloc : memref<!tpu.dma_semaphore, #tpu.memory_space<semaphore_mem>>
      %dma_start3A_226 = arith.constant 0 : i32
      %dma_start3A_227 = tpu.memref_slice %arg8[%mul3A_156, %dma_start3A_226] : memref<10240x128xf32, #tpu.memory_space<vmem_shared>> -> memref<640x128xf32, #tpu.memory_space<vmem_shared>>
      %dma_start3A_228 = arith.constant 0 : i32
      %dma_start3A_229 = tpu.memref_slice %arg4[%mul3A_154, %dma_start3A_228] : memref<10240x128xf32, #tpu.memory_space<hbm>> -> memref<640x128xf32, #tpu.memory_space<hbm>>
      tpu.enqueue_dma source(%dma_start3A_229 : memref<640x128xf32, #tpu.memory_space<hbm>>) target(%dma_start3A_227 : memref<640x128xf32, #tpu.memory_space<vmem_shared>>) target_semaphore(%run_scoped3A : memref<!tpu.dma_semaphore, #tpu.memory_space<semaphore_mem>>)
      %dma_wait3A_230 = arith.constant 0 : i32
      %dma_wait3A_231 = tpu.memref_slice %arg8[%mul3A_156, %dma_wait3A_230] : memref<10240x128xf32, #tpu.memory_space<vmem_shared>> -> memref<640x128xf32, #tpu.memory_space<vmem_shared>>
      %dma_wait3A_232 = arith.constant 0 : i32
      %dma_wait3A_233 = tpu.memref_slice %arg4[%mul3A_154, %dma_wait3A_232] : memref<10240x128xf32, #tpu.memory_space<hbm>> -> memref<640x128xf32, #tpu.memory_space<hbm>>
      tpu.wait_dma2 semaphore(%run_scoped3A : memref<!tpu.dma_semaphore, #tpu.memory_space<semaphore_mem>>) src(%dma_wait3A_233 : memref<640x128xf32, #tpu.memory_space<hbm>>) dst(%dma_wait3A_231 : memref<640x128xf32, #tpu.memory_space<vmem_shared>>)
      tpu.yield
    }) : () -> ()
    %barrier3A = arith.constant 0 : index
    tpu.barrier barrier_id(%barrier3A)
    %rem3A_157 = arith.constant 0 : i32
    %rem3A_158 = arith.constant 8 : i32
    %rem3A_159 = arith.remsi %rem3A_157, %rem3A_158 : i32
    %dma_wait3A = arith.constant 0 : i32
    %dma_wait3A_160 = arith.constant 0 : i32
    %dma_wait3A_161 = arith.constant 0 : i32
    %dma_wait3A_162 = tpu.memref_slice %arg6[%rem3A_159, %dma_wait3A_160, %dma_wait3A_161] : memref<8x2x128xi32, #tpu.memory_space<vmem>> -> memref<1x2x128xi32, #tpu.memory_space<vmem>>
    %dma_wait3A_163 = tpu.memref_squeeze %dma_wait3A_162 : memref<1x2x128xi32, #tpu.memory_space<vmem>> -> memref<2x128xi32, #tpu.memory_space<vmem>>
    %dma_wait3A_164 = arith.constant 0 : i32
    %dma_wait3A_165 = arith.constant 0 : i32
    %dma_wait3A_166 = tpu.memref_slice %arg3[%add3A, %dma_wait3A, %dma_wait3A_164, %dma_wait3A_165] : memref<32x80x2x128xi32, #tpu.memory_space<hbm>> -> memref<1x1x2x128xi32, #tpu.memory_space<hbm>>
    %dma_wait3A_167 = tpu.memref_squeeze %dma_wait3A_166 : memref<1x1x2x128xi32, #tpu.memory_space<hbm>> -> memref<2x128xi32, #tpu.memory_space<hbm>>
    %dma_wait3A_168 = tpu.memref_slice %arg9[%rem3A_159] : memref<8x!tpu.dma_semaphore, #tpu.memory_space<semaphore_mem>> -> memref<1x!tpu.dma_semaphore, #tpu.memory_space<semaphore_mem>>
    %dma_wait3A_169 = tpu.memref_squeeze %dma_wait3A_168 : memref<1x!tpu.dma_semaphore, #tpu.memory_space<semaphore_mem>> -> memref<!tpu.dma_semaphore, #tpu.memory_space<semaphore_mem>>
    %dma_wait3A_170 = arith.constant 0 : i32
    %dma_wait3A_171 = arith.constant 0 : i32
    %dma_wait3A_172 = tpu.memref_slice %arg6[%rem3A_159, %dma_wait3A_170, %dma_wait3A_171] : memref<8x2x128xi32, #tpu.memory_space<vmem>> -> memref<1x2x128xi32, #tpu.memory_space<vmem>>
    %dma_wait3A_173 = tpu.memref_squeeze %dma_wait3A_172 : memref<1x2x128xi32, #tpu.memory_space<vmem>> -> memref<2x128xi32, #tpu.memory_space<vmem>>
    %dma_wait3A_174 = arith.constant 0 : i32
    %dma_wait3A_175 = arith.constant 0 : i32
    %dma_wait3A_176 = tpu.memref_slice %arg3[%add3A, %dma_wait3A, %dma_wait3A_174, %dma_wait3A_175] : memref<32x80x2x128xi32, #tpu.memory_space<hbm>> -> memref<1x1x2x128xi32, #tpu.memory_space<hbm>>
    %dma_wait3A_177 = tpu.memref_squeeze %dma_wait3A_176 : memref<1x1x2x128xi32, #tpu.memory_space<hbm>> -> memref<2x128xi32, #tpu.memory_space<hbm>>
    tpu.wait_dma2 semaphore(%dma_wait3A_169 : memref<!tpu.dma_semaphore, #tpu.memory_space<semaphore_mem>>) src(%dma_wait3A_177 : memref<2x128xi32, #tpu.memory_space<hbm>>) dst(%dma_wait3A_173 : memref<2x128xi32, #tpu.memory_space<vmem>>)
    %rem3A_178 = arith.constant 0 : i32
    %rem3A_179 = arith.constant 2 : i32
    %rem3A_180 = arith.remsi %rem3A_178, %rem3A_179 : i32
    %rem3A_181 = arith.constant 0 : i32
    %rem3A_182 = arith.constant 8 : i32
    %rem3A_183 = arith.remsi %rem3A_181, %rem3A_182 : i32
    %dma_start3A_184 = arith.constant 0 : i32
    %dma_start3A_185 = arith.constant 0 : i32
    %dma_start3A_186 = arith.constant 0 : i32
    %dma_start3A_187 = tpu.memref_slice %arg7[%rem3A_180, %dma_start3A_185, %dma_start3A_186] : memref<2x128x128xf32, #tpu.memory_space<vmem>> -> memref<1x128x128xf32, #tpu.memory_space<vmem>>
    %dma_start3A_188 = tpu.memref_squeeze %dma_start3A_187 : memref<1x128x128xf32, #tpu.memory_space<vmem>> -> memref<128x128xf32, #tpu.memory_space<vmem>>
    %dma_start3A_189 = arith.constant 0 : i32
    %dma_start3A_190 = tpu.memref_slice %arg6[%rem3A_183, %dma_start3A_184, %dma_start3A_189] : memref<8x2x128xi32, #tpu.memory_space<vmem>> -> memref<1x1x128xi32, #tpu.memory_space<vmem>>
    %dma_start3A_191 = tpu.memref_squeeze %dma_start3A_190 : memref<1x1x128xi32, #tpu.memory_space<vmem>> -> memref<128xi32, #tpu.memory_space<vmem>>
    %dma_start3A_192 = arith.constant 0 : i32
    %dma_start3A_193 = arith.constant 0 : i32
    %dma_start3A_194 = tpu.memref_slice %arg2[%dma_start3A_192, %dma_start3A_193] : memref<10000x128xf32, #tpu.memory_space<hbm>> -> memref<10000x128xf32, #tpu.memory_space<hbm>>
    %dma_start3A_195 = tpu.memref_slice %arg10[%rem3A_180] : memref<2x!tpu.dma_semaphore, #tpu.memory_space<semaphore_mem>> -> memref<1x!tpu.dma_semaphore, #tpu.memory_space<semaphore_mem>>
    %dma_start3A_196 = tpu.memref_squeeze %dma_start3A_195 : memref<1x!tpu.dma_semaphore, #tpu.memory_space<semaphore_mem>> -> memref<!tpu.dma_semaphore, #tpu.memory_space<semaphore_mem>>
    tpu.enqueue_indirect_dma source(%dma_start3A_194 : memref<10000x128xf32, #tpu.memory_space<hbm>>) target(%dma_start3A_188 : memref<128x128xf32, #tpu.memory_space<vmem>>) offsets(%dma_start3A_191 : memref<128xi32, #tpu.memory_space<vmem>>) semaphore(%dma_start3A_196 : memref<!tpu.dma_semaphore, #tpu.memory_space<semaphore_mem>>)
    %scan3A = arith.constant 0 : i32
    %scan3A_197 = arith.constant 0 : i32
    %scan3A_198 = arith.constant 80 : i32
    %scan3A_199 = arith.addi %scan3A_197, %scan3A_198 : i32
    %scan3A_200 = arith.constant 1 : i32
    scf.for %scan3A_226 = %scan3A_197 to %scan3A_199 step %scan3A_200  : i32 {
      %ge3A = arith.constant 1 : i32
      %ge3A_227 = arith.cmpi sge, %scan3A_226, %ge3A : i32
      %convert_element_type3A = arith.extui %ge3A_227 : i1 to i32
      %cond3A = arith.constant 0 : i32
      %cond3A_228 = arith.cmpi ne, %convert_element_type3A, %cond3A : i32
      scf.if %cond3A_228 {
        %sub3A_277 = arith.constant 1 : i32
        %sub3A_278 = arith.subi %scan3A_226, %sub3A_277 : i32
        %rem3A_279 = arith.constant 2 : i32
        %rem3A_280 = arith.remsi %sub3A_278, %rem3A_279 : i32
        %rem3A_281 = arith.constant 8 : i32
        %rem3A_282 = arith.remsi %sub3A_278, %rem3A_281 : i32
        %dma_wait3A_283 = arith.constant 1 : i32
        %dma_wait3A_284 = arith.constant 0 : i32
        %dma_wait3A_285 = arith.constant 0 : i32
        %dma_wait3A_286 = tpu.memref_slice %arg7[%rem3A_280, %dma_wait3A_284, %dma_wait3A_285] : memref<2x128x128xf32, #tpu.memory_space<vmem>> -> memref<1x128x128xf32, #tpu.memory_space<vmem>>
        %dma_wait3A_287 = tpu.memref_squeeze %dma_wait3A_286 : memref<1x128x128xf32, #tpu.memory_space<vmem>> -> memref<128x128xf32, #tpu.memory_space<vmem>>
        %dma_wait3A_288 = arith.constant 0 : i32
        %dma_wait3A_289 = tpu.memref_slice %arg6[%rem3A_282, %dma_wait3A_283, %dma_wait3A_288] : memref<8x2x128xi32, #tpu.memory_space<vmem>> -> memref<1x1x128xi32, #tpu.memory_space<vmem>>
        %dma_wait3A_290 = tpu.memref_squeeze %dma_wait3A_289 : memref<1x1x128xi32, #tpu.memory_space<vmem>> -> memref<128xi32, #tpu.memory_space<vmem>>
        %dma_wait3A_291 = arith.constant 0 : i32
        %dma_wait3A_292 = arith.constant 0 : i32
        %dma_wait3A_293 = tpu.memref_slice %arg8[%dma_wait3A_291, %dma_wait3A_292] : memref<10240x128xf32, #tpu.memory_space<vmem_shared>> -> memref<10240x128xf32, #tpu.memory_space<vmem_shared>>
        %dma_wait3A_294 = tpu.memref_slice %arg11[%rem3A_280] : memref<2x!tpu.dma_semaphore, #tpu.memory_space<semaphore_mem>> -> memref<1x!tpu.dma_semaphore, #tpu.memory_space<semaphore_mem>>
        %dma_wait3A_295 = tpu.memref_squeeze %dma_wait3A_294 : memref<1x!tpu.dma_semaphore, #tpu.memory_space<semaphore_mem>> -> memref<!tpu.dma_semaphore, #tpu.memory_space<semaphore_mem>>
        tpu.wait_indirect_dma semaphore(%dma_wait3A_295 : memref<!tpu.dma_semaphore, #tpu.memory_space<semaphore_mem>>) src(%dma_wait3A_287 : memref<128x128xf32, #tpu.memory_space<vmem>>) dst(%dma_wait3A_293 : memref<10240x128xf32, #tpu.memory_space<vmem_shared>>)
      } else {
      }
      %add3A_229 = arith.constant 8 : i32
      %add3A_230 = arith.addi %scan3A_226, %add3A_229 : i32
      %sub3A = arith.constant 1 : i32
      %sub3A_231 = arith.subi %add3A_230, %sub3A : i32
      %lt3A = arith.constant 80 : i32
      %lt3A_232 = arith.cmpi slt, %sub3A_231, %lt3A : i32
      %convert_element_type3A_233 = arith.extui %lt3A_232 : i1 to i32
      %cond3A_234 = arith.constant 0 : i32
      %cond3A_235 = arith.cmpi ne, %convert_element_type3A_233, %cond3A_234 : i32
      scf.if %cond3A_235 {
        %add3A_277 = arith.constant 8 : i32
        %add3A_278 = arith.addi %scan3A_226, %add3A_277 : i32
        %sub3A_279 = arith.constant 1 : i32
        %sub3A_280 = arith.subi %add3A_278, %sub3A_279 : i32
        %rem3A_281 = arith.constant 8 : i32
        %rem3A_282 = arith.remsi %sub3A_280, %rem3A_281 : i32
        %dma_start3A_283 = arith.constant 0 : i32
        %dma_start3A_284 = arith.constant 0 : i32
        %dma_start3A_285 = tpu.memref_slice %arg6[%rem3A_282, %dma_start3A_283, %dma_start3A_284] : memref<8x2x128xi32, #tpu.memory_space<vmem>> -> memref<1x2x128xi32, #tpu.memory_space<vmem>>
        %dma_start3A_286 = tpu.memref_squeeze %dma_start3A_285 : memref<1x2x128xi32, #tpu.memory_space<vmem>> -> memref<2x128xi32, #tpu.memory_space<vmem>>
        %dma_start3A_287 = arith.constant 0 : i32
        %dma_start3A_288 = arith.constant 0 : i32
        %dma_start3A_289 = tpu.memref_slice %arg3[%add3A, %sub3A_280, %dma_start3A_287, %dma_start3A_288] : memref<32x80x2x128xi32, #tpu.memory_space<hbm>> -> memref<1x1x2x128xi32, #tpu.memory_space<hbm>>
        %dma_start3A_290 = tpu.memref_squeeze %dma_start3A_289 : memref<1x1x2x128xi32, #tpu.memory_space<hbm>> -> memref<2x128xi32, #tpu.memory_space<hbm>>
        %dma_start3A_291 = tpu.memref_slice %arg9[%rem3A_282] : memref<8x!tpu.dma_semaphore, #tpu.memory_space<semaphore_mem>> -> memref<1x!tpu.dma_semaphore, #tpu.memory_space<semaphore_mem>>
        %dma_start3A_292 = tpu.memref_squeeze %dma_start3A_291 : memref<1x!tpu.dma_semaphore, #tpu.memory_space<semaphore_mem>> -> memref<!tpu.dma_semaphore, #tpu.memory_space<semaphore_mem>>
        %dma_start3A_293 = arith.constant 0 : i32
        %dma_start3A_294 = arith.constant 0 : i32
        %dma_start3A_295 = tpu.memref_slice %arg6[%rem3A_282, %dma_start3A_293, %dma_start3A_294] : memref<8x2x128xi32, #tpu.memory_space<vmem>> -> memref<1x2x128xi32, #tpu.memory_space<vmem>>
        %dma_start3A_296 = tpu.memref_squeeze %dma_start3A_295 : memref<1x2x128xi32, #tpu.memory_space<vmem>> -> memref<2x128xi32, #tpu.memory_space<vmem>>
        %dma_start3A_297 = arith.constant 0 : i32
        %dma_start3A_298 = arith.constant 0 : i32
        %dma_start3A_299 = tpu.memref_slice %arg3[%add3A, %sub3A_280, %dma_start3A_297, %dma_start3A_298] : memref<32x80x2x128xi32, #tpu.memory_space<hbm>> -> memref<1x1x2x128xi32, #tpu.memory_space<hbm>>
        %dma_start3A_300 = tpu.memref_squeeze %dma_start3A_299 : memref<1x1x2x128xi32, #tpu.memory_space<hbm>> -> memref<2x128xi32, #tpu.memory_space<hbm>>
        tpu.enqueue_dma source(%dma_start3A_300 : memref<2x128xi32, #tpu.memory_space<hbm>>) target(%dma_start3A_296 : memref<2x128xi32, #tpu.memory_space<vmem>>) target_semaphore(%dma_start3A_292 : memref<!tpu.dma_semaphore, #tpu.memory_space<semaphore_mem>>)
      } else {
      }
      %add3A_236 = arith.constant 1 : i32
      %add3A_237 = arith.addi %scan3A_226, %add3A_236 : i32
      %lt3A_238 = arith.constant 80 : i32
      %lt3A_239 = arith.cmpi slt, %add3A_237, %lt3A_238 : i32
      %convert_element_type3A_240 = arith.extui %lt3A_239 : i1 to i32
      %cond3A_241 = arith.constant 0 : i32
      %cond3A_242 = arith.cmpi ne, %convert_element_type3A_240, %cond3A_241 : i32
      scf.if %cond3A_242 {
        %add3A_277 = arith.constant 1 : i32
        %add3A_278 = arith.addi %scan3A_226, %add3A_277 : i32
        %rem3A_279 = arith.constant 8 : i32
        %rem3A_280 = arith.remsi %add3A_278, %rem3A_279 : i32
        %dma_wait3A_281 = arith.constant 0 : i32
        %dma_wait3A_282 = arith.constant 0 : i32
        %dma_wait3A_283 = tpu.memref_slice %arg6[%rem3A_280, %dma_wait3A_281, %dma_wait3A_282] : memref<8x2x128xi32, #tpu.memory_space<vmem>> -> memref<1x2x128xi32, #tpu.memory_space<vmem>>
        %dma_wait3A_284 = tpu.memref_squeeze %dma_wait3A_283 : memref<1x2x128xi32, #tpu.memory_space<vmem>> -> memref<2x128xi32, #tpu.memory_space<vmem>>
        %dma_wait3A_285 = arith.constant 0 : i32
        %dma_wait3A_286 = arith.constant 0 : i32
        %dma_wait3A_287 = tpu.memref_slice %arg3[%add3A, %add3A_278, %dma_wait3A_285, %dma_wait3A_286] : memref<32x80x2x128xi32, #tpu.memory_space<hbm>> -> memref<1x1x2x128xi32, #tpu.memory_space<hbm>>
        %dma_wait3A_288 = tpu.memref_squeeze %dma_wait3A_287 : memref<1x1x2x128xi32, #tpu.memory_space<hbm>> -> memref<2x128xi32, #tpu.memory_space<hbm>>
        %dma_wait3A_289 = tpu.memref_slice %arg9[%rem3A_280] : memref<8x!tpu.dma_semaphore, #tpu.memory_space<semaphore_mem>> -> memref<1x!tpu.dma_semaphore, #tpu.memory_space<semaphore_mem>>
        %dma_wait3A_290 = tpu.memref_squeeze %dma_wait3A_289 : memref<1x!tpu.dma_semaphore, #tpu.memory_space<semaphore_mem>> -> memref<!tpu.dma_semaphore, #tpu.memory_space<semaphore_mem>>
        %dma_wait3A_291 = arith.constant 0 : i32
        %dma_wait3A_292 = arith.constant 0 : i32
        %dma_wait3A_293 = tpu.memref_slice %arg6[%rem3A_280, %dma_wait3A_291, %dma_wait3A_292] : memref<8x2x128xi32, #tpu.memory_space<vmem>> -> memref<1x2x128xi32, #tpu.memory_space<vmem>>
        %dma_wait3A_294 = tpu.memref_squeeze %dma_wait3A_293 : memref<1x2x128xi32, #tpu.memory_space<vmem>> -> memref<2x128xi32, #tpu.memory_space<vmem>>
        %dma_wait3A_295 = arith.constant 0 : i32
        %dma_wait3A_296 = arith.constant 0 : i32
        %dma_wait3A_297 = tpu.memref_slice %arg3[%add3A, %add3A_278, %dma_wait3A_295, %dma_wait3A_296] : memref<32x80x2x128xi32, #tpu.memory_space<hbm>> -> memref<1x1x2x128xi32, #tpu.memory_space<hbm>>
        %dma_wait3A_298 = tpu.memref_squeeze %dma_wait3A_297 : memref<1x1x2x128xi32, #tpu.memory_space<hbm>> -> memref<2x128xi32, #tpu.memory_space<hbm>>
        tpu.wait_dma2 semaphore(%dma_wait3A_290 : memref<!tpu.dma_semaphore, #tpu.memory_space<semaphore_mem>>) src(%dma_wait3A_298 : memref<2x128xi32, #tpu.memory_space<hbm>>) dst(%dma_wait3A_294 : memref<2x128xi32, #tpu.memory_space<vmem>>)
        %add3A_299 = arith.constant 1 : i32
        %add3A_300 = arith.addi %scan3A_226, %add3A_299 : i32
        %rem3A_301 = arith.constant 2 : i32
        %rem3A_302 = arith.remsi %add3A_300, %rem3A_301 : i32
        %rem3A_303 = arith.constant 8 : i32
        %rem3A_304 = arith.remsi %add3A_300, %rem3A_303 : i32
        %dma_start3A_305 = arith.constant 0 : i32
        %dma_start3A_306 = arith.constant 0 : i32
        %dma_start3A_307 = arith.constant 0 : i32
        %dma_start3A_308 = tpu.memref_slice %arg7[%rem3A_302, %dma_start3A_306, %dma_start3A_307] : memref<2x128x128xf32, #tpu.memory_space<vmem>> -> memref<1x128x128xf32, #tpu.memory_space<vmem>>
        %dma_start3A_309 = tpu.memref_squeeze %dma_start3A_308 : memref<1x128x128xf32, #tpu.memory_space<vmem>> -> memref<128x128xf32, #tpu.memory_space<vmem>>
        %dma_start3A_310 = arith.constant 0 : i32
        %dma_start3A_311 = tpu.memref_slice %arg6[%rem3A_304, %dma_start3A_305, %dma_start3A_310] : memref<8x2x128xi32, #tpu.memory_space<vmem>> -> memref<1x1x128xi32, #tpu.memory_space<vmem>>
        %dma_start3A_312 = tpu.memref_squeeze %dma_start3A_311 : memref<1x1x128xi32, #tpu.memory_space<vmem>> -> memref<128xi32, #tpu.memory_space<vmem>>
        %dma_start3A_313 = arith.constant 0 : i32
        %dma_start3A_314 = arith.constant 0 : i32
        %dma_start3A_315 = tpu.memref_slice %arg2[%dma_start3A_313, %dma_start3A_314] : memref<10000x128xf32, #tpu.memory_space<hbm>> -> memref<10000x128xf32, #tpu.memory_space<hbm>>
        %dma_start3A_316 = tpu.memref_slice %arg10[%rem3A_302] : memref<2x!tpu.dma_semaphore, #tpu.memory_space<semaphore_mem>> -> memref<1x!tpu.dma_semaphore, #tpu.memory_space<semaphore_mem>>
        %dma_start3A_317 = tpu.memref_squeeze %dma_start3A_316 : memref<1x!tpu.dma_semaphore, #tpu.memory_space<semaphore_mem>> -> memref<!tpu.dma_semaphore, #tpu.memory_space<semaphore_mem>>
        tpu.enqueue_indirect_dma source(%dma_start3A_315 : memref<10000x128xf32, #tpu.memory_space<hbm>>) target(%dma_start3A_309 : memref<128x128xf32, #tpu.memory_space<vmem>>) offsets(%dma_start3A_312 : memref<128xi32, #tpu.memory_space<vmem>>) semaphore(%dma_start3A_317 : memref<!tpu.dma_semaphore, #tpu.memory_space<semaphore_mem>>)
      } else {
      }
      %rem3A_243 = arith.constant 2 : i32
      %rem3A_244 = arith.remsi %scan3A_226, %rem3A_243 : i32
      %rem3A_245 = arith.constant 8 : i32
      %rem3A_246 = arith.remsi %scan3A_226, %rem3A_245 : i32
      %dma_wait3A_247 = arith.constant 0 : i32
      %dma_wait3A_248 = arith.constant 0 : i32
      %dma_wait3A_249 = arith.constant 0 : i32
      %dma_wait3A_250 = tpu.memref_slice %arg7[%rem3A_244, %dma_wait3A_248, %dma_wait3A_249] : memref<2x128x128xf32, #tpu.memory_space<vmem>> -> memref<1x128x128xf32, #tpu.memory_space<vmem>>
      %dma_wait3A_251 = tpu.memref_squeeze %dma_wait3A_250 : memref<1x128x128xf32, #tpu.memory_space<vmem>> -> memref<128x128xf32, #tpu.memory_space<vmem>>
      %dma_wait3A_252 = arith.constant 0 : i32
      %dma_wait3A_253 = tpu.memref_slice %arg6[%rem3A_246, %dma_wait3A_247, %dma_wait3A_252] : memref<8x2x128xi32, #tpu.memory_space<vmem>> -> memref<1x1x128xi32, #tpu.memory_space<vmem>>
      %dma_wait3A_254 = tpu.memref_squeeze %dma_wait3A_253 : memref<1x1x128xi32, #tpu.memory_space<vmem>> -> memref<128xi32, #tpu.memory_space<vmem>>
      %dma_wait3A_255 = arith.constant 0 : i32
      %dma_wait3A_256 = arith.constant 0 : i32
      %dma_wait3A_257 = tpu.memref_slice %arg2[%dma_wait3A_255, %dma_wait3A_256] : memref<10000x128xf32, #tpu.memory_space<hbm>> -> memref<10000x128xf32, #tpu.memory_space<hbm>>
      %dma_wait3A_258 = tpu.memref_slice %arg10[%rem3A_244] : memref<2x!tpu.dma_semaphore, #tpu.memory_space<semaphore_mem>> -> memref<1x!tpu.dma_semaphore, #tpu.memory_space<semaphore_mem>>
      %dma_wait3A_259 = tpu.memref_squeeze %dma_wait3A_258 : memref<1x!tpu.dma_semaphore, #tpu.memory_space<semaphore_mem>> -> memref<!tpu.dma_semaphore, #tpu.memory_space<semaphore_mem>>
      tpu.wait_indirect_dma semaphore(%dma_wait3A_259 : memref<!tpu.dma_semaphore, #tpu.memory_space<semaphore_mem>>) src(%dma_wait3A_257 : memref<10000x128xf32, #tpu.memory_space<hbm>>) dst(%dma_wait3A_251 : memref<128x128xf32, #tpu.memory_space<vmem>>)
      %rem3A_260 = arith.constant 2 : i32
      %rem3A_261 = arith.remsi %scan3A_226, %rem3A_260 : i32
      %rem3A_262 = arith.constant 8 : i32
      %rem3A_263 = arith.remsi %scan3A_226, %rem3A_262 : i32
      %dma_start3A_264 = arith.constant 1 : i32
      %dma_start3A_265 = arith.constant 0 : i32
      %dma_start3A_266 = arith.constant 0 : i32
      %dma_start3A_267 = tpu.memref_slice %arg7[%rem3A_261, %dma_start3A_265, %dma_start3A_266] : memref<2x128x128xf32, #tpu.memory_space<vmem>> -> memref<1x128x128xf32, #tpu.memory_space<vmem>>
      %dma_start3A_268 = tpu.memref_squeeze %dma_start3A_267 : memref<1x128x128xf32, #tpu.memory_space<vmem>> -> memref<128x128xf32, #tpu.memory_space<vmem>>
      %dma_start3A_269 = arith.constant 0 : i32
      %dma_start3A_270 = tpu.memref_slice %arg6[%rem3A_263, %dma_start3A_264, %dma_start3A_269] : memref<8x2x128xi32, #tpu.memory_space<vmem>> -> memref<1x1x128xi32, #tpu.memory_space<vmem>>
      %dma_start3A_271 = tpu.memref_squeeze %dma_start3A_270 : memref<1x1x128xi32, #tpu.memory_space<vmem>> -> memref<128xi32, #tpu.memory_space<vmem>>
      %dma_start3A_272 = arith.constant 0 : i32
      %dma_start3A_273 = arith.constant 0 : i32
      %dma_start3A_274 = tpu.memref_slice %arg8[%dma_start3A_272, %dma_start3A_273] : memref<10240x128xf32, #tpu.memory_space<vmem_shared>> -> memref<10240x128xf32, #tpu.memory_space<vmem_shared>>
      %dma_start3A_275 = tpu.memref_slice %arg11[%rem3A_261] : memref<2x!tpu.dma_semaphore, #tpu.memory_space<semaphore_mem>> -> memref<1x!tpu.dma_semaphore, #tpu.memory_space<semaphore_mem>>
      %dma_start3A_276 = tpu.memref_squeeze %dma_start3A_275 : memref<1x!tpu.dma_semaphore, #tpu.memory_space<semaphore_mem>> -> memref<!tpu.dma_semaphore, #tpu.memory_space<semaphore_mem>>
      tpu.enqueue_indirect_dma source(%dma_start3A_268 : memref<128x128xf32, #tpu.memory_space<vmem>>) target(%dma_start3A_274 : memref<10240x128xf32, #tpu.memory_space<vmem_shared>>) offsets(%dma_start3A_271 : memref<128xi32, #tpu.memory_space<vmem>>) semaphore(%dma_start3A_276 : memref<!tpu.dma_semaphore, #tpu.memory_space<semaphore_mem>>) {add = true}
    }
    %scan3A_201 = arith.constant 80 : i32
    %rem3A_202 = arith.constant 79 : i32
    %rem3A_203 = arith.constant 2 : i32
    %rem3A_204 = arith.remsi %rem3A_202, %rem3A_203 : i32
    %rem3A_205 = arith.constant 79 : i32
    %rem3A_206 = arith.constant 8 : i32
    %rem3A_207 = arith.remsi %rem3A_205, %rem3A_206 : i32
    %dma_wait3A_208 = arith.constant 1 : i32
    %dma_wait3A_209 = arith.constant 0 : i32
    %dma_wait3A_210 = arith.constant 0 : i32
    %dma_wait3A_211 = tpu.memref_slice %arg7[%rem3A_204, %dma_wait3A_209, %dma_wait3A_210] : memref<2x128x128xf32, #tpu.memory_space<vmem>> -> memref<1x128x128xf32, #tpu.memory_space<vmem>>
    %dma_wait3A_212 = tpu.memref_squeeze %dma_wait3A_211 : memref<1x128x128xf32, #tpu.memory_space<vmem>> -> memref<128x128xf32, #tpu.memory_space<vmem>>
    %dma_wait3A_213 = arith.constant 0 : i32
    %dma_wait3A_214 = tpu.memref_slice %arg6[%rem3A_207, %dma_wait3A_208, %dma_wait3A_213] : memref<8x2x128xi32, #tpu.memory_space<vmem>> -> memref<1x1x128xi32, #tpu.memory_space<vmem>>
    %dma_wait3A_215 = tpu.memref_squeeze %dma_wait3A_214 : memref<1x1x128xi32, #tpu.memory_space<vmem>> -> memref<128xi32, #tpu.memory_space<vmem>>
    %dma_wait3A_216 = arith.constant 0 : i32
    %dma_wait3A_217 = arith.constant 0 : i32
    %dma_wait3A_218 = tpu.memref_slice %arg8[%dma_wait3A_216, %dma_wait3A_217] : memref<10240x128xf32, #tpu.memory_space<vmem_shared>> -> memref<10240x128xf32, #tpu.memory_space<vmem_shared>>
    %dma_wait3A_219 = tpu.memref_slice %arg11[%rem3A_204] : memref<2x!tpu.dma_semaphore, #tpu.memory_space<semaphore_mem>> -> memref<1x!tpu.dma_semaphore, #tpu.memory_space<semaphore_mem>>
    %dma_wait3A_220 = tpu.memref_squeeze %dma_wait3A_219 : memref<1x!tpu.dma_semaphore, #tpu.memory_space<semaphore_mem>> -> memref<!tpu.dma_semaphore, #tpu.memory_space<semaphore_mem>>
    tpu.wait_indirect_dma semaphore(%dma_wait3A_220 : memref<!tpu.dma_semaphore, #tpu.memory_space<semaphore_mem>>) src(%dma_wait3A_212 : memref<128x128xf32, #tpu.memory_space<vmem>>) dst(%dma_wait3A_218 : memref<10240x128xf32, #tpu.memory_space<vmem_shared>>)
    %barrier3A_221 = arith.constant 0 : index
    tpu.barrier barrier_id(%barrier3A_221)
    %mul3A_222 = arith.constant 640 : i32
    %mul3A_223 = arith.muli %arg1, %mul3A_222 : i32
    %mul3A_224 = arith.constant 640 : i32
    %mul3A_225 = arith.muli %arg1, %mul3A_224 : i32
    "tpu.region"() ({
      %run_scoped3A = tpu.sem_alloc : memref<!tpu.dma_semaphore, #tpu.memory_space<semaphore_mem>>
      %dma_start3A_226 = arith.constant 0 : i32
      %dma_start3A_227 = tpu.memref_slice %arg5[%arg0, %mul3A_225, %dma_start3A_226] : memref<2x10240x128xf32, #tpu.memory_space<hbm>> -> memref<1x640x128xf32, #tpu.memory_space<hbm>>
      %dma_start3A_228 = tpu.memref_squeeze %dma_start3A_227 : memref<1x640x128xf32, #tpu.memory_space<hbm>> -> memref<640x128xf32, #tpu.memory_space<hbm>>
      %dma_start3A_229 = arith.constant 0 : i32
      %dma_start3A_230 = tpu.memref_slice %arg8[%mul3A_223, %dma_start3A_229] : memref<10240x128xf32, #tpu.memory_space<vmem_shared>> -> memref<640x128xf32, #tpu.memory_space<vmem_shared>>
      tpu.enqueue_dma source(%dma_start3A_230 : memref<640x128xf32, #tpu.memory_space<vmem_shared>>) target(%dma_start3A_228 : memref<640x128xf32, #tpu.memory_space<hbm>>) target_semaphore(%run_scoped3A : memref<!tpu.dma_semaphore, #tpu.memory_space<semaphore_mem>>)
      %dma_wait3A_231 = arith.constant 0 : i32
      %dma_wait3A_232 = tpu.memref_slice %arg5[%arg0, %mul3A_225, %dma_wait3A_231] : memref<2x10240x128xf32, #tpu.memory_space<hbm>> -> memref<1x640x128xf32, #tpu.memory_space<hbm>>
      %dma_wait3A_233 = tpu.memref_squeeze %dma_wait3A_232 : memref<1x640x128xf32, #tpu.memory_space<hbm>> -> memref<640x128xf32, #tpu.memory_space<hbm>>
      %dma_wait3A_234 = arith.constant 0 : i32
      %dma_wait3A_235 = tpu.memref_slice %arg8[%mul3A_223, %dma_wait3A_234] : memref<10240x128xf32, #tpu.memory_space<vmem_shared>> -> memref<640x128xf32, #tpu.memory_space<vmem_shared>>
      tpu.wait_dma2 semaphore(%run_scoped3A : memref<!tpu.dma_semaphore, #tpu.memory_space<semaphore_mem>>) src(%dma_wait3A_235 : memref<640x128xf32, #tpu.memory_space<vmem_shared>>) dst(%dma_wait3A_233 : memref<640x128xf32, #tpu.memory_space<hbm>>)
      tpu.yield
    }) : () -> ()
    return
  }
}

module attributes {stable_mosaic.version = 14 : i64} {
  func.func @body(%arg0: memref<10000x128xf32, #tpu.memory_space<vmem>>, %arg1: memref<2x10240x128xf32, #tpu.memory_space<vmem>>, %arg2: memref<128x128xf32, #tpu.memory_space<vmem>>, %arg3: memref<1x128xf32, #tpu.memory_space<vmem>>, %arg4: memref<128x128xf32, #tpu.memory_space<vmem>>, %arg5: memref<1x128xf32, #tpu.memory_space<vmem>>, %arg6: memref<10000x128xf32, #tpu.memory_space<vmem>>) attributes {dimension_semantics = [], scalar_prefetch = 0 : i64, scratch_operands = 0 : i64, tpu.core_type = #tpu.core_type<tc>} {
    %get3A = arith.constant 0 : index
    %get3A_0 = arith.constant 0 : index
    %get3A_1 = vector.load %arg0[%get3A, %get3A_0] : memref<10000x128xf32, #tpu.memory_space<vmem>>, vector<10000x128xf32>
    %get3A_2 = arith.constant 0 : index
    %get3A_3 = arith.constant 0 : index
    %get3A_4 = arith.constant 0 : index
    %get3A_5 = vector.load %arg1[%get3A_2, %get3A_3, %get3A_4] : memref<2x10240x128xf32, #tpu.memory_space<vmem>>, vector<1x10000x128xf32>
    %get3A_6 = vector.shape_cast %get3A_5 : vector<1x10000x128xf32> to vector<10000x128xf32>
    %add3A = arith.addf %get3A_1, %get3A_6 : vector<10000x128xf32>
    %get3A_7 = arith.constant 1 : index
    %get3A_8 = arith.constant 0 : index
    %get3A_9 = arith.constant 0 : index
    %get3A_10 = vector.load %arg1[%get3A_7, %get3A_8, %get3A_9] : memref<2x10240x128xf32, #tpu.memory_space<vmem>>, vector<1x10000x128xf32>
    %get3A_11 = vector.shape_cast %get3A_10 : vector<1x10000x128xf32> to vector<10000x128xf32>
    %add3A_12 = arith.addf %add3A, %get3A_11 : vector<10000x128xf32>
    %get3A_13 = arith.constant 0 : index
    %get3A_14 = arith.constant 0 : index
    %get3A_15 = vector.load %arg2[%get3A_13, %get3A_14] : memref<128x128xf32, #tpu.memory_space<vmem>>, vector<128x128xf32>
    %dot_general3A = arith.constant dense<0.000000e+00> : vector<10000x128xf32>
    %dot_general3A_16 = tpu.matmul %add3A_12, %get3A_15, %dot_general3A {dimension_numbers = #tpu.dot_dimension_numbers<[1], [0], [0], [1], [0, 0, 1, 1], [], []>, transpose_lhs_hint = false} : vector<10000x128xf32>, vector<128x128xf32>, vector<10000x128xf32> -> vector<10000x128xf32>
    %get3A_17 = arith.constant 0 : index
    %get3A_18 = arith.constant 0 : index
    %get3A_19 = vector.load %arg3[%get3A_17, %get3A_18] : memref<1x128xf32, #tpu.memory_space<vmem>>, vector<1x128xf32>
    %add3A_20 = vector.broadcast %get3A_19 : vector<1x128xf32> to vector<10000x128xf32>
    %add3A_21 = arith.addf %dot_general3A_16, %add3A_20 : vector<10000x128xf32>
    %max3A = arith.constant 0.000000e+00 : f32
    %max3A_22 = vector.broadcast %max3A : f32 to vector<10000x128xf32>
    %max3A_23 = arith.maximumf %add3A_21, %max3A_22 : vector<10000x128xf32>
    %get3A_24 = arith.constant 0 : index
    %get3A_25 = arith.constant 0 : index
    %get3A_26 = vector.load %arg4[%get3A_24, %get3A_25] : memref<128x128xf32, #tpu.memory_space<vmem>>, vector<128x128xf32>
    %dot_general3A_27 = arith.constant dense<0.000000e+00> : vector<10000x128xf32>
    %dot_general3A_28 = tpu.matmul %max3A_23, %get3A_26, %dot_general3A_27 {dimension_numbers = #tpu.dot_dimension_numbers<[1], [0], [0], [1], [0, 0, 1, 1], [], []>, transpose_lhs_hint = false} : vector<10000x128xf32>, vector<128x128xf32>, vector<10000x128xf32> -> vector<10000x128xf32>
    %get3A_29 = arith.constant 0 : index
    %get3A_30 = arith.constant 0 : index
    %get3A_31 = vector.load %arg5[%get3A_29, %get3A_30] : memref<1x128xf32, #tpu.memory_space<vmem>>, vector<1x128xf32>
    %add3A_32 = vector.broadcast %get3A_31 : vector<1x128xf32> to vector<10000x128xf32>
    %add3A_33 = arith.addf %dot_general3A_28, %add3A_32 : vector<10000x128xf32>
    %max3A_34 = arith.constant 0.000000e+00 : f32
    %max3A_35 = vector.broadcast %max3A_34 : f32 to vector<10000x128xf32>
    %max3A_36 = arith.maximumf %add3A_33, %max3A_35 : vector<10000x128xf32>
    %swap3A = arith.constant 0 : index
    %swap3A_37 = arith.constant 0 : index
    %swap3A_38 = vector.load %arg6[%swap3A, %swap3A_37] : memref<10000x128xf32, #tpu.memory_space<vmem>>, vector<10000x128xf32>
    tpu.vector_store %arg6[%swap3A, %swap3A_37], %max3A_36 {strides = array<i32>} : memref<10000x128xf32, #tpu.memory_space<vmem>>, vector<10000x128xf32>,
    return
  }
}

module attributes {stable_mosaic.version = 14 : i64} {
  func.func @body(%arg0: memref<10000x128xf32, #tpu.memory_space<vmem>>, %arg1: memref<2x10240x128xf32, #tpu.memory_space<vmem>>, %arg2: memref<128x128xf32, #tpu.memory_space<vmem>>, %arg3: memref<1x128xf32, #tpu.memory_space<vmem>>, %arg4: memref<128x128xf32, #tpu.memory_space<vmem>>, %arg5: memref<1x128xf32, #tpu.memory_space<vmem>>, %arg6: memref<128x128xf32, #tpu.memory_space<vmem>>, %arg7: memref<1x128xf32, #tpu.memory_space<vmem>>, %arg8: memref<10000x128xf32, #tpu.memory_space<vmem>>) attributes {dimension_semantics = [], scalar_prefetch = 0 : i64, scratch_operands = 0 : i64, tpu.core_type = #tpu.core_type<tc>} {
    %get3A = arith.constant 0 : index
    %get3A_0 = arith.constant 0 : index
    %get3A_1 = vector.load %arg0[%get3A, %get3A_0] : memref<10000x128xf32, #tpu.memory_space<vmem>>, vector<10000x128xf32>
    %get3A_2 = arith.constant 0 : index
    %get3A_3 = arith.constant 0 : index
    %get3A_4 = arith.constant 0 : index
    %get3A_5 = vector.load %arg1[%get3A_2, %get3A_3, %get3A_4] : memref<2x10240x128xf32, #tpu.memory_space<vmem>>, vector<1x10000x128xf32>
    %get3A_6 = vector.shape_cast %get3A_5 : vector<1x10000x128xf32> to vector<10000x128xf32>
    %add3A = arith.addf %get3A_1, %get3A_6 : vector<10000x128xf32>
    %get3A_7 = arith.constant 1 : index
    %get3A_8 = arith.constant 0 : index
    %get3A_9 = arith.constant 0 : index
    %get3A_10 = vector.load %arg1[%get3A_7, %get3A_8, %get3A_9] : memref<2x10240x128xf32, #tpu.memory_space<vmem>>, vector<1x10000x128xf32>
    %get3A_11 = vector.shape_cast %get3A_10 : vector<1x10000x128xf32> to vector<10000x128xf32>
    %add3A_12 = arith.addf %add3A, %get3A_11 : vector<10000x128xf32>
    %get3A_13 = arith.constant 0 : index
    %get3A_14 = arith.constant 0 : index
    %get3A_15 = vector.load %arg2[%get3A_13, %get3A_14] : memref<128x128xf32, #tpu.memory_space<vmem>>, vector<128x128xf32>
    %dot_general3A = arith.constant dense<0.000000e+00> : vector<10000x128xf32>
    %dot_general3A_16 = tpu.matmul %add3A_12, %get3A_15, %dot_general3A {dimension_numbers = #tpu.dot_dimension_numbers<[1], [0], [0], [1], [0, 0, 1, 1], [], []>, transpose_lhs_hint = false} : vector<10000x128xf32>, vector<128x128xf32>, vector<10000x128xf32> -> vector<10000x128xf32>
    %get3A_17 = arith.constant 0 : index
    %get3A_18 = arith.constant 0 : index
    %get3A_19 = vector.load %arg3[%get3A_17, %get3A_18] : memref<1x128xf32, #tpu.memory_space<vmem>>, vector<1x128xf32>
    %add3A_20 = vector.broadcast %get3A_19 : vector<1x128xf32> to vector<10000x128xf32>
    %add3A_21 = arith.addf %dot_general3A_16, %add3A_20 : vector<10000x128xf32>
    %max3A = arith.constant 0.000000e+00 : f32
    %max3A_22 = vector.broadcast %max3A : f32 to vector<10000x128xf32>
    %max3A_23 = arith.maximumf %add3A_21, %max3A_22 : vector<10000x128xf32>
    %get3A_24 = arith.constant 0 : index
    %get3A_25 = arith.constant 0 : index
    %get3A_26 = vector.load %arg4[%get3A_24, %get3A_25] : memref<128x128xf32, #tpu.memory_space<vmem>>, vector<128x128xf32>
    %dot_general3A_27 = arith.constant dense<0.000000e+00> : vector<10000x128xf32>
    %dot_general3A_28 = tpu.matmul %max3A_23, %get3A_26, %dot_general3A_27 {dimension_numbers = #tpu.dot_dimension_numbers<[1], [0], [0], [1], [0, 0, 1, 1], [], []>, transpose_lhs_hint = false} : vector<10000x128xf32>, vector<128x128xf32>, vector<10000x128xf32> -> vector<10000x128xf32>
    %get3A_29 = arith.constant 0 : index
    %get3A_30 = arith.constant 0 : index
    %get3A_31 = vector.load %arg5[%get3A_29, %get3A_30] : memref<1x128xf32, #tpu.memory_space<vmem>>, vector<1x128xf32>
    %add3A_32 = vector.broadcast %get3A_31 : vector<1x128xf32> to vector<10000x128xf32>
    %add3A_33 = arith.addf %dot_general3A_28, %add3A_32 : vector<10000x128xf32>
    %max3A_34 = arith.constant 0.000000e+00 : f32
    %max3A_35 = vector.broadcast %max3A_34 : f32 to vector<10000x128xf32>
    %max3A_36 = arith.maximumf %add3A_33, %max3A_35 : vector<10000x128xf32>
    %get3A_37 = arith.constant 0 : index
    %get3A_38 = arith.constant 0 : index
    %get3A_39 = vector.load %arg6[%get3A_37, %get3A_38] : memref<128x128xf32, #tpu.memory_space<vmem>>, vector<128x128xf32>
    %dot_general3A_40 = arith.constant dense<0.000000e+00> : vector<10000x128xf32>
    %dot_general3A_41 = tpu.matmul %max3A_36, %get3A_39, %dot_general3A_40 {dimension_numbers = #tpu.dot_dimension_numbers<[1], [0], [0], [1], [0, 0, 1, 1], [], []>, transpose_lhs_hint = false} : vector<10000x128xf32>, vector<128x128xf32>, vector<10000x128xf32> -> vector<10000x128xf32>
    %get3A_42 = arith.constant 0 : index
    %get3A_43 = arith.constant 0 : index
    %get3A_44 = vector.load %arg7[%get3A_42, %get3A_43] : memref<1x128xf32, #tpu.memory_space<vmem>>, vector<1x128xf32>
    %add3A_45 = vector.broadcast %get3A_44 : vector<1x128xf32> to vector<10000x128xf32>
    %add3A_46 = arith.addf %dot_general3A_41, %add3A_45 : vector<10000x128xf32>
    %swap3A = arith.constant 0 : index
    %swap3A_47 = arith.constant 0 : index
    %swap3A_48 = vector.load %arg8[%swap3A, %swap3A_47] : memref<10000x128xf32, #tpu.memory_space<vmem>>, vector<10000x128xf32>
    tpu.vector_store %arg8[%swap3A, %swap3A_47], %add3A_46 {strides = array<i32>} : memref<10000x128xf32, #tpu.memory_space<vmem>>, vector<10000x128xf32>,
    return
  }
}

</mosaic_0001>

<sc_bundles>
// kernel: kernel.6.cloned.1.call-start
scs
__scs_entry_jumppad:
0x0: {  	(pc) =	sbr.rel $0x88, $3  }
0x1: {  	(tag) =	ssettag $0x0;
	lr =	simm.s32 $0x1  }
0x2: {  	[smem:$0x3F95] =	sst lr;
	_ =	strace $0xD0000000  }
0x3: {  	_ = 	snop  }
0x4: {  	_ = 	snop  }
0x5: {  	_ = 	snop  }
0x6: {  	_ = 	snop  }
0x7: {  	_ = 	snop  }
__scs_overlays_trampoline_lowered:
0x8: {  	[smem:$0x3FA4] =	sst s0  }
0x9: {  	[smem:$0x3FA5] =	sst s1  }
0xa: {  	[smem:$0x3FA6] =	sst s2  }
0xb: {  	[smem:$0x3FA7] =	sst s3  }
0xc: {  	[smem:$0x3FA8] =	sst s4  }
0xd: {  	[smem:$0x3FA9] =	sst s5  }
0xe: {  	[smem:$0x3FAA] =	sst s6  }
0xf: {  	[smem:$0x3FAB] =	sst s7  }
0x10: {  	[smem:$0x3FAC] =	sst s8  }
0x11: {  	[smem:$0x3FAD] =	sst s9;
	s0 =	simm.s32 @!p0 $0x0  }
0x12: {  	s1 =	sld [smem:$0x3F93];
	s0 =	simm.s32 @p0 $0x1  }
0x13: {  	[smem:$0x3FAE] =	sst s0;
	s0 =	simm.s32 @!p1 $0x0  }
0x14: {  	s2 =	sld [smem:$0x3F92];
	s0 =	simm.s32 @p1 $0x1  }
0x15: {  	[smem:$0x3FAF] =	sst s0;
	s0 =	simm.s32 @!p2 $0x0  }
0x16: {  	s3 =	sld [smem:$0x3FDB];
	s0 =	simm.s32 @p2 $0x1  }
0x17: {  	s4 =	simm.s32 $0x1BF5;
	[smem:$0x3FB1] =	sst s0  }
0x18: {  	s0 =	sld [smem:$0x3F94];
	_ =	swait.ge [sflag:s4], $0x0  }
0x19: {  	s7 =	sld [smem:$0x3F95]  }
0x1a: {  	s8 =	sadd.s32 $0xFFFFE003, lr  }
0x1b: {  	s9 =	sadd.s32 $0xFFFFFEF7, lr;
	s5 =	simm.s32 $0xFFFFFFFF;
	p2 =	slt.u32 s8, $0xFFFFF086  }
0x1c: {  	p1 =	slt.u32 s9, $0xF7A;
	s5 =	simm.s32 @!p2 $0x0  }
0x1d: {  	s5 =	simm.s32 @p1 $0x1;
	p0 =	seq.s32 s7, s2  }
0x1e: {  	s7 =	smul.u32 @!p0 $0xF7A, s2;
	p2 =	seq.s32 @!p0 s5, $0x0  }
0x1f: {  	s9 =	smul.u32 $0xF7A, s1;
	s8 =	simm.s32 @!p0 $0x1BF5;
	p2 =	por !p2, p0  }
0x20: {  	[sflag:s8] =	ssyncset.s32 @!p0 $0xFFFFF086;
	s6 =	sadd.s32 @!p0 s3, s7;
	s7 =	simm.s32 @!p0 $0x108  }
0x21: {  	s3 =	sadd.s32 s3, s9;
	s6 =	sadd.s32 @!p0 $0x88, s6;
	s7 =	simm.s32 @p2 $0x1082  }
0x22: {  	[simem:s7], [sflag:s8] =	dma.local @!p0 [hbm:s6], $0xF7A  }
0x23: {  	s9 =	sor.u32 $0xD0000000, s2;
	s6 =	simm.s32 $0x108;
	_ =	swait.ge @!p0 [sflag:s8], $0x0  }
0x24: {  	s3 =	sadd.s32 $0x88, s3;
	s6 =	simm.s32 @!p1 $0x1082;
	[sflag:s4] =	ssyncset.s32 $0xFFFFF086  }
0x25: {  	[simem:s6], [sflag:s4] =	dma.local [hbm:s3], $0xF7A  }
0x26: {  	[smem:$0x3F95] =	sst s1;
	(tag) =	ssettag s2;
	_ =	strace s9  }
0x27: {  	s1 =	sld [smem:$0x3FA5]  }
0x28: {  	s2 =	sld [smem:$0x3FA6]  }
0x29: {  	s4 =	sld [smem:$0x3FA8]  }
0x2a: {  	p0 =	seq.s32 s5, $0x0;
	s5 =	sld [smem:$0x3FA9]  }
0x2b: {  	s6 =	sld [smem:$0x3FAA]  }
0x2c: {  	s7 =	sld [smem:$0x3FAB]  }
0x2d: {  	s3 =	simm.s32 $0x108;
	s8 =	sld [smem:$0x3FAC]  }
0x2e: {  	s3 =	simm.s32 @!p0 $0x1082;
	s9 =	sld [smem:$0x3FAD]  }
0x2f: {  	lr =	sadd.s32 s0, s3;
	s0 =	sld [smem:$0x3FA4]  }
0x30: {  	s3 =	sld [smem:$0x3FA7]  }
0x31: {  	[smem:$0x3FB0] =	sst s10  }
0x32: {  	s10 =	sld [smem:$0x3FAE];
	_ =	sdelay $0x3  }
0x33: {  	p0 =	seq.s32 s10, $0x1;
	s10 =	sld [smem:$0x3FB0];
	_ =	sdelay $0x3  }
0x34: {  	[smem:$0x3FB0] =	sst s10  }
0x35: {  	s10 =	sld [smem:$0x3FAF];
	_ =	sdelay $0x3  }
0x36: {  	p1 =	seq.s32 s10, $0x1;
	s10 =	sld [smem:$0x3FB0];
	_ =	sdelay $0x3  }
0x37: {  	[smem:$0x3FB0] =	sst s10  }
0x38: {  	s10 =	sld [smem:$0x3FB1]  }
0x39: {  	_ = 	snop;
	(pc) =	sbr.ind lr, $3  }
0x3a: {  	_ = 	snop  }
0x3b: {  	_ = 	snop  }
0x3c: {  	p2 =	seq.s32 s10, $0x1;
	s10 =	sld [smem:$0x3FB0]  }
0x3d: {  	_ =	shalt  }
0x3e: {  	_ =	shalt  }
0x3f: {  	_ =	shalt  }
0x40: {  	_ =	shalt  }
0x41: {  	_ =	shalt  }
0x42: {  	_ =	shalt  }
0x43: {  	_ =	shalt  }
0x44: {  	_ =	shalt  }
0x45: {  	_ =	shalt  }
0x46: {  	_ =	shalt  }
0x47: {  	_ =	shalt  }
0x48: {  	_ =	shalt  }
0x49: {  	_ =	shalt  }
0x4a: {  	_ =	shalt  }
0x4b: {  	_ =	shalt  }
0x4c: {  	_ =	shalt  }
0x4d: {  	_ =	shalt  }
0x4e: {  	_ =	shalt  }
0x4f: {  	_ =	shalt  }
0x50: {  	_ =	shalt  }
0x51: {  	_ =	shalt  }
0x52: {  	_ =	shalt  }
0x53: {  	_ =	shalt  }
0x54: {  	_ =	shalt  }
0x55: {  	_ =	shalt  }
0x56: {  	_ =	shalt  }
0x57: {  	_ =	shalt  }
0x58: {  	_ =	shalt  }
0x59: {  	_ =	shalt  }
0x5a: {  	_ =	shalt  }
0x5b: {  	_ =	shalt  }
0x5c: {  	_ =	shalt  }
0x5d: {  	_ =	shalt  }
0x5e: {  	_ =	shalt  }
0x5f: {  	_ =	shalt  }
0x60: {  	_ =	shalt  }
0x61: {  	_ =	shalt  }
0x62: {  	_ =	shalt  }
0x63: {  	_ =	shalt  }
0x64: {  	_ =	shalt  }
0x65: {  	_ =	shalt  }
0x66: {  	_ =	shalt  }
0x67: {  	_ =	shalt  }
0x68: {  	_ =	shalt  }
0x69: {  	_ =	shalt  }
0x6a: {  	_ =	shalt  }
0x6b: {  	_ =	shalt  }
0x6c: {  	_ =	shalt  }
0x6d: {  	_ =	shalt  }
0x6e: {  	_ =	shalt  }
0x6f: {  	_ =	shalt  }
0x70: {  	_ =	shalt  }
0x71: {  	_ =	shalt  }
0x72: {  	_ =	shalt  }
0x73: {  	_ =	shalt  }
0x74: {  	_ =	shalt  }
0x75: {  	_ =	shalt  }
0x76: {  	_ =	shalt  }
0x77: {  	_ =	shalt  }
0x78: {  	_ =	shalt  }
0x79: {  	_ =	shalt  }
0x7a: {  	_ =	shalt  }
0x7b: {  	_ =	shalt  }
0x7c: {  	_ =	shalt  }
0x7d: {  	_ =	shalt  }
0x7e: {  	_ =	shalt  }
0x7f: {  	_ =	shalt  }
0x80: {  	_ =	shalt  }
0x81: {  	_ =	shalt  }
0x82: {  	_ =	shalt  }
0x83: {  	_ =	shalt  }
0x84: {  	_ =	shalt  }
0x85: {  	_ =	shalt  }
0x86: {  	_ =	shalt  }
0x87: {  	_ =	shalt  }
.Lfunc_end0:
.L_simem_size_0:
called_computation_lowered:
.L_overlay_start_0:
0x88: {  	s2 =	sld [smem:$0x3FD9]  }
0x89: {  	s3 =	sld [smem:$0x3FFE];
	_ =	sdelay $0x1  }
0x8a: {  	s1 =	srdreg.scid  }
0x8b: {  	s0 =	sand.u32 $0x1, s1  }
0x8c: {  	s17 =	sshll.u32 s0, $0xA;
	s2 =	sadd.s32 s3, s2  }
0x8d: {  	s2 =	sadd.s32 s2, s17  }
0x8e: {  	[smem:$0x3FBC] =	sst s2  }
0x8f: {  	_ = 	snop  }
0x90: {  	s2 =	sld [smem:$0x3FC9];
	(tm) =	ssettm $0x1  }
0x91: {  	s18 =	sld [smem:$0x3FFB];
	_ =	sdelay $0x3  }
0x92: {  	_ =	strace s18  }
0x93: {  	s3 =	sld [smem:$0x3FFC];
	_ =	sdelay $0x3  }
0x94: {  	_ =	strace s3  }
0x95: {  	s3 =	sld [smem:$0x3FFD];
	_ =	sdelay $0x3  }
0x96: {  	_ =	strace s3  }
0x97: {  	_ =	strace $0x8FFFFFFF  }
0x98: {  	s19 =	sld [smem:$0x3FDB];
	_ =	sdelay $0x1  }
0x99: {  	s4 =	simm.s32 $_scs_section_size  }
0x9a: {  	s5 =	simm.s32 $_size__tile_overlayer_lowered;
	s6 =	simm.s32 $_tile_overlayer_lowered  }
0x9b: {  	s22 =	simm.s32 $0x1BFF;
	s21 =	sshll.u32 s6, $0x1;
	s3 =	sadd.s32 s4, s19  }
0x9c: {  	s7 =	simm.s32 $0x0;
	s20 =	sshll.u32 s5, $0x1;
	s5 =	sadd.s32 s21, s3  }
0x9d: {  	[timem:s7], [sflag:s22] =	dma.local [hbm:s5], s20  }
0x9e: {  	_ =	swait.ge [sflag:s22], s20  }
0x9f: {  	s4 =	ssub.s32 $0x0, s20;
	[sflag:s22] =	ssyncset.done $0x0  }
0xa0: {  	[sflag:s22] =	ssyncadd.s32 s4;
	_ =	sdelay $0x1  }
0xa1: {  	s23 =	simm.s32 $0x1B8B  }
0xa2: {  	_ =	swait.ge [sflag:s23], $0x1  }
0xa3: {  	[sflag:s23] =	ssyncset.done $0x0  }
0xa4: {  	s25 =	simm.s32 $0x1B8E;
	s24 =	sld [smem:$0x3FFE];
	[sflag:s23] =	ssyncadd.s32 $0xFFFFFFFF  }
0xa5: {  	s26 =	simm.s32 $execute0_lowered;
	[smem:$0x3FD2] =	sst s25  }
0xa6: {  	s5 =	sshll.u32 s26, $0x1;
	_ =	strace $0x80000046;
	[dreg:$0x1] =	wrdreg $0xFFFFFFFF  }
0xa7: {  	s28 =	simm.s32 $_size_execute0_lowered;
	s3 =	sadd.s32 s3, s5;
	[dreg:$0x0] =	wrdreg $0x0  }
0xa8: {  	s5 =	sshll.u32 s28, $0x1;
	[dreg:$0x2] =	wrdreg s3  }
0xa9: {  	[dreg:$0x3] =	wrdreg s5  }
0xaa: {  	[dreg:$0x4] =	wrdreg $0xC0  }
0xab: {  	_ =	task [dreg:s7], $0x5FFFF  }
0xac: {  	[dreg:$0x1] =	wrdreg $0xFFFFFFFF  }
0xad: {  	[dreg:$0x0] =	wrdreg $0x60  }
0xae: {  	[dreg:$0x2] =	wrdreg s2  }
0xaf: {  	[dreg:$0x3] =	wrdreg s24  }
0xb0: {  	[dreg:$0x4] =	wrdreg $0x88000  }
0xb1: {  	[dreg:$0x5] =	wrdreg $0x9  }
0xb2: {  	_ =	task.clear_ibuf [dreg:s7], $0x6FFFF;
	_ =	strace $0x90000046  }
0xb3: {  	s29 =	simm.s32 $0x9;
	_ =	strace $0x80000048  }
0xb4: {  	_ =	swait.ge [sflag:s29], $0x1  }
0xb5: {  	[sflag:s29] =	ssyncadd.s32 $0xFFFFFFFF  }
0xb6: {  	_ =	strace $0x90000048  }
0xb7: {  	_ =	sfence  }
0xb8: {  	s30 =	sld [smem:$0x0];
	_ =	sdelay $0x2  }
0xb9: {  	s31 =	sshll.u32 s1, $0xD;
	s1 =	sshrl.u32 s1, $0x2  }
0xba: {  	s3 =	sand.u32 $0x4000, s31;
	s1 =	sadd.s32 s1, s30  }
0xbb: {  	s0 =	sor.u32 s3, s0;
	s1 =	sshll.u32 s1, $0x11  }
0xbc: {  	s0 =	sor.u32 s1, s0  }
0xbd: {  	s0 =	sadd.s32 $0x8F2B, s0  }
0xbe: {  	[sflag:s0] =	ssyncadd.remote.s32 $0x1  }
0xbf: {  	_ =	sfence.sel $0xFFFF  }
0xc0: {  	[dreg:$0x0] =	wrdreg $0xFFFFFFFF;
	(pc) =	sbr.abs _section_cstart, $3  }
0xc1: {  	[dreg:$0x1] =	wrdreg $0xFFFFFFFF  }
0xc2: {  	_ =	task.clear_ibuf [dreg:s7], $0x2FFFF;
	_ =	strace $0x9FFFFFFF  }
0xc3: {  	(tm) =	ssettm $0x7FFFFFFF  }
tec
execute0_lowered:
.L_overlay_start_1:
0x0: {  	(tag) =	ssettag $0x1  }
0x1: {  	s1 =	rddreg [dreg:$0x0]  }
0x2: {  	s0 =	rddreg [dreg:$0x1]  }
0x3: {  	s3 =	rddreg [dreg:$0x2];
	s2 =	srdreg.scid  }
0x4: {  	s4 =	simm.s32 $0x0;
	s16 =	stileid.u32;
	s22 =	simm.s32 $0x500  }
0x5: {  	s23 =	simm.s32 $0x600;
	s28 =	simm.s32 $0x80;
	s29 =	simm.s32 $0x800  }
0x6: {  	s30 =	simm.s32 $0xC;
	s31 =	simm.s32 $0x0;
	s7 =	smul.u32 $0x14000, s16  }
0x7: {  	s2 =	sand.u32 $0x1, s2;
	[smem:$0x7FF] =	sst s4;
	s15 =	smul.u32 $0x50000, s16  }
0x8: {  	s5 =	sshll.u32 s2, $0x4;
	_ =	strace $0x80000047;
	s8 =	smul.u32 $0x140000, s2  }
0x9: {  	s2 =	ssub.s32 $0x2, s2;
	s6 =	sor.u32 s16, s5;
	s5 =	sadd.s32 $0x2600, s0  }
0xa: {  	s9 =	sshrl.u32 s7, $0x3;
	s25 =	sshrl.u32 s2, $0x1;
	s15 =	sshrl.u32 s15, $0x2  }
0xb: {  	s16 =	sshll.u32 s16, $0x6;
	s6 =	smul.u32 $0x5000, s6;
	s14 =	sadd.s32 s9, s0  }
0xc: {  	s7 =	sadd.s32 s7, s8;
	s2 =	ssub.s32 s2, s25;
	s18 =	sadd.s32 s15, s3  }
0xd: {  	s15 =	sor.u32 $0x1C0D, s16;
	s25 =	simm.s32 $0xD;
	s7 =	sshrl.u32 s7, $0x3  }
.Ltmp0:
0xe: {  	s14 =	sadd.s32 $0x16600, s14;
	s17 =	smax.u32 s2, $0x1;
	(pc) =	sbr.rel .LBB2_1-.Ltmp0, $4  }
0xf: {  	s24 =	sshrl.u32 s18, $0x3;
	s26 =	sshrl.u32 s6, $0x3;
	s0 =	sadd.s32 s7, s0  }
0x10: {  	s7 =	sadd.s32 s5, s26;
	s16 =	sadd.s32 $0x3E600, s0;
	s26 =	simm.s32 $0x1  }
0x11: {  	s8 =	sadd.s32 $0x20, s7;
	s9 =	sadd.s32 $0x40, s7;
	s10 =	sadd.s32 $0x60, s7  }
0x12: {  	s11 =	sadd.s32 $0x80, s7;
	s12 =	sadd.s32 $0xA0, s7;
	s13 =	sadd.s32 $0xC0, s7  }
.LBB2_8:
0x13: {  	_ =	swait.ge [sflag:s30], $0x4000  }
0x14: {  	s31 =	sadd.s32 $0x1, s31;
	[sflag:s30] =	ssyncset.done $0x0  }
0x15: {  	p0 =	sne.s32 s31, s17;
	[sflag:s30] =	ssyncadd.s32 $0xFFFFC000  }
.Ltmp1:
0x16: {  	[bflag:$0x0] =	sbarrier.arrive $0xFFFF;
	(pc) =	sbr.rel @!p0 .LBB2_9-.Ltmp1, $4  }
0x17: {  	[hbm:s16], [sflag:s15] =	dma.local [spmem:s24], $0x2800  }
0x18: {  	_ =	swait.ge [sflag:s25], $0x2800  }
0x19: {  	[sflag:s25] =	ssyncset.done $0x0  }
0x1a: {  	[sflag:s25] =	ssyncadd.s32 $0xFFFFD800  }
.LBB2_1:
0x1b: {  	[tilespmem:s4], [sflag:$0x1] =	stream.linear.gather [hbm4b:s7+s4], $0x100, $0x38;
	[tilespmem:$0x1C800] =	vst v63  }
0x1c: {  	s0 =	simm.s32 $0x100  }
0x1d: {  	[tilespmem:s0], [sflag:$0x2] =	stream.linear.gather [hbm4b:s8+s4], $0x100, $0x38;
	[tilespmem:$0x1C800] =	vst v63  }
0x1e: {  	s19 =	simm.s32 $0x200  }
0x1f: {  	[tilespmem:s19], [sflag:$0x3] =	stream.linear.gather [hbm4b:s9+s4], $0x100, $0x38;
	[tilespmem:$0x1C800] =	vst v63  }
0x20: {  	s20 =	simm.s32 $0x300  }
0x21: {  	[tilespmem:s20], [sflag:$0x4] =	stream.linear.gather [hbm4b:s10+s4], $0x100, $0x38;
	[tilespmem:$0x1C800] =	vst v63  }
0x22: {  	s21 =	simm.s32 $0x400  }
0x23: {  	[tilespmem:s21], [sflag:$0x5] =	stream.linear.gather [hbm4b:s11+s4], $0x100, $0x38;
	[tilespmem:$0x1C800] =	vst v63  }
0x24: {  	_ = 	snop  }
0x25: {  	[tilespmem:s22], [sflag:$0x6] =	stream.linear.gather [hbm4b:s12+s4], $0x100, $0x38;
	[tilespmem:$0x1C800] =	vst v63  }
0x26: {  	_ = 	snop  }
0x27: {  	[tilespmem:s23], [sflag:$0x7] =	stream.linear.gather [hbm4b:s13+s4], $0x100, $0x38;
	[tilespmem:$0x1C800] =	vst v63  }
0x28: {  	[spmem:s24], [sflag:s15] =	dma.local [hbm:s14], $0x2800  }
0x29: {  	_ =	swait.ge [sflag:s25], $0x2800  }
0x2a: {  	[sflag:s25] =	ssyncset.done $0x0  }
0x2b: {  	[sflag:s25] =	ssyncadd.s32 $0xFFFFD800  }
.Ltmp2:
0x2c: {  	[bflag:$0x0] =	sbarrier.arrive $0xFFFF;
	(pc) =	sbr.rel .LBB2_2-.Ltmp2, $4  }
0x2d: {  	_ =	swait.ge [sflag:s26], $0x100  }
0x2e: {  	[sflag:s26] =	ssyncset.done $0x0  }
0x2f: {  	s0 =	simm.s32 $0x0;
	[sflag:s26] =	ssyncadd.s32 $0xFFFFFF00  }
0x30: {  	[tilespmem:s29], [sflag:$0x9] =	stream.indirect.gather [hbm4b:s1+s28], $0x80, s4, s28, $0xb8;
	[tilespmem:$0x1C800] =	vst v63  }
.LBB2_6:
0x31: {  	s18 =	simm.s32 $0x50;
	s2 =	simm.s32 $0x1  }
.LBB2_7:
0x32: {  	s19 =	sadd.s32 $0x9, s2;
	s20 =	sshll.u32 s2, $0xE;
	p0 =	slt.u32 s18, $0x50  }
.Ltmp3:
0x33: {  	s0 =	sshll.u32 s0, $0x8;
	_ =	swait.ge [sflag:s19], $0x4000;
	(pc) =	sbr.rel @!p0 .LBB2_8-.Ltmp3, $4  }
0x34: {  	s21 =	sadd.s32 $0xB, s2;
	s0 =	sand.u32 $0x700, s0;
	[sflag:s19] =	ssyncset.done $0x0  }
0x35: {  	s20 =	sor.u32 $0x800, s20;
	s0 =	sor.u32 $0x80, s0;
	[sflag:s19] =	ssyncadd.s32 $0xFFFFC000  }
0x36: {  	[spmem:s3] =	stream.indirect.scatter.add.f32 [tilespmem:s20], [sflag:s21], $0x80, s0, s28, $0xb8;
	[tilespmem:$0x1C800] =	vst v63  }
0x37: {  	s0 =	smov.u32 s18  }
.LBB2_2:
0x38: {  	p0 =	seq.s32 s0, $0x0  }
0x39: {  	p1 =	sgt.u32 @!p0 s0, $0x48  }
0x3a: {  	s2 =	sand.u32 @!p0 $0x1, s0;
	p1 =	por p0, !p1  }
.Ltmp4:
0x3b: {  	s18 =	sxor.u32 @!p0 $0x1, s2;
	(pc) =	sbr.rel @!p1 .LBB2_5-.Ltmp4, $4  }
0x3c: {  	s18 =	sadd.s32 @!p0 $0xB, s18  }
0x3d: {  	_ =	swait.ge @!p0 [sflag:s18], $0x4000  }
0x3e: {  	[sflag:s18] =	ssyncset.done @!p0 $0x0  }
0x3f: {  	[sflag:s18] =	ssyncadd.s32 @!p0 $0xFFFFC000  }
0x40: {  	s18 =	sadd.s32 $0x7, s0  }
.Ltmp5:
0x41: {  	s19 =	sshll.u32 s18, $0x8;
	(pc) =	sbr.rel .LBB2_4-.Ltmp5, $4  }
0x42: {  	s19 =	sadd.s32 s6, s19  }
0x43: {  	s2 =	simm.s32 @p0 $0x0;
	s18 =	sand.u32 $0x7, s18;
	s19 =	sshrl.u32 s19, $0x3  }
0x44: {  	s20 =	sshll.u32 s18, $0x8;
	s18 =	sadd.s32 $0x1, s18;
	s19 =	sadd.s32 s5, s19  }
0x45: {  	[tilespmem:s20], [sflag:s18] =	stream.linear.gather [hbm4b:s19+s4], $0x100, $0x38;
	[tilespmem:$0x1C800] =	vst v63  }
.LBB2_5:
0x46: {  	p0 =	seq.s32 s0, $0x4F  }
.Ltmp6:
0x47: {  	_ = 	snop;
	(pc) =	sbr.rel @p0 .LBB2_6-.Ltmp6, $1  }
0x48: {  	_ =	sdelay $0x3  }
.LBB2_4:
0x49: {  	s18 =	sadd.s32 $0x1, s0  }
0x4a: {  	s19 =	sand.u32 $0x7, s18  }
0x4b: {  	s20 =	sadd.s32 $0x1, s19  }
.Ltmp7:
0x4c: {  	_ =	swait.ge [sflag:s20], $0x100;
	(pc) =	sbr.rel .LBB2_7-.Ltmp7, $4  }
0x4d: {  	s21 =	sand.u32 $0x1, s18;
	[sflag:s20] =	ssyncset.done $0x0  }
0x4e: {  	[sflag:s20] =	ssyncadd.s32 $0xFFFFFF00;
	s20 =	sshll.u32 s21, $0xE  }
0x4f: {  	s19 =	sshll.u32 s19, $0x8;
	s21 =	sadd.s32 $0x9, s21;
	s20 =	sor.u32 $0x800, s20  }
0x50: {  	[tilespmem:s20], [sflag:s21] =	stream.indirect.gather [hbm4b:s1+s28], $0x80, s19, s28, $0xb8;
	[tilespmem:$0x1C800] =	vst v63  }
.LBB2_9:
0x51: {  	_ =	sfence.sel $0x180000  }
0x52: {  	[bflag:$0x0] =	sbarrier.arrive $0xFFFF  }
0x53: {  	_ =	strace $0x90000047  }
0x54: {  	s0 =	stileid.u32;
	[bflag:$0x2] =	sbarrier.arrive $0xFFFF  }
0x55: {  	p0 =	sne.s32 s0, $0x0;
	s0 =	rddreg [dreg:$0x3]  }
0x56: {  	s0 =	sadd.s32 @!p0 $0x100000, s0  }
0x57: {  	[sflag:s0] =	ssyncadd.tile.s32 @!p0 $0x1;
	_ =	shalt  }
.Lfunc_end2:
_tile_overlayer_lowered:
.L_overlay_start_2:
0x58: {  	(tag) =	ssettag $0x2  }
0x59: {  	s0 =	rddreg [dreg:$0x0];
	s2 =	stileid.u32  }
0x5a: {  	s1 =	rddreg [dreg:$0x1];
	p0 =	sne.s32 s2, $0x0  }
0x5b: {  	s3 =	rddreg [dreg:$0x2];
	[bflag:$0x3] =	sbarrier.arrive $0xFFFF;
	s2 =	simm.s32 @!p0 $0x1C0D  }
0x5c: {  	[timem:s3], [sflag:s2] =	dma.local @!p0 [hbm:s0], s1  }
0x5d: {  	s0 =	simm.s32 @!p0 $0xD  }
0x5e: {  	_ =	swait.ge @!p0 [sflag:s0], s1  }
0x5f: {  	s1 =	ssub.s32 @!p0 $0x0, s1;
	[sflag:s0] =	ssyncset.done @!p0 $0x0  }
0x60: {  	[sflag:s0] =	ssyncadd.s32 @!p0 s1  }
0x61: {  	[bflag:$0x3] =	sbarrier.arrive $0xFFFF  }
0x62: {  	_ =	shalt  }

// kernel: kernel.9.cloned.1.call-start
scs
__scs_entry_jumppad:
0x0: {  	(pc) =	sbr.rel $0x88, $3  }
0x1: {  	(tag) =	ssettag $0x0;
	lr =	simm.s32 $0x1  }
0x2: {  	[smem:$0x3F95] =	sst lr;
	_ =	strace $0xD0000000  }
0x3: {  	_ = 	snop  }
0x4: {  	_ = 	snop  }
0x5: {  	_ = 	snop  }
0x6: {  	_ = 	snop  }
0x7: {  	_ = 	snop  }
__scs_overlays_trampoline_lowered:
0x8: {  	[smem:$0x3FA4] =	sst s0  }
0x9: {  	[smem:$0x3FA5] =	sst s1  }
0xa: {  	[smem:$0x3FA6] =	sst s2  }
0xb: {  	[smem:$0x3FA7] =	sst s3  }
0xc: {  	[smem:$0x3FA8] =	sst s4  }
0xd: {  	[smem:$0x3FA9] =	sst s5  }
0xe: {  	[smem:$0x3FAA] =	sst s6  }
0xf: {  	[smem:$0x3FAB] =	sst s7  }
0x10: {  	[smem:$0x3FAC] =	sst s8  }
0x11: {  	[smem:$0x3FAD] =	sst s9;
	s0 =	simm.s32 @!p0 $0x0  }
0x12: {  	s1 =	sld [smem:$0x3F93];
	s0 =	simm.s32 @p0 $0x1  }
0x13: {  	[smem:$0x3FAE] =	sst s0;
	s0 =	simm.s32 @!p1 $0x0  }
0x14: {  	s2 =	sld [smem:$0x3F92];
	s0 =	simm.s32 @p1 $0x1  }
0x15: {  	[smem:$0x3FAF] =	sst s0;
	s0 =	simm.s32 @!p2 $0x0  }
0x16: {  	s3 =	sld [smem:$0x3FDB];
	s0 =	simm.s32 @p2 $0x1  }
0x17: {  	s4 =	simm.s32 $0x1BF5;
	[smem:$0x3FB1] =	sst s0  }
0x18: {  	s0 =	sld [smem:$0x3F94];
	_ =	swait.ge [sflag:s4], $0x0  }
0x19: {  	s7 =	sld [smem:$0x3F95]  }
0x1a: {  	s8 =	sadd.s32 $0xFFFFE003, lr  }
0x1b: {  	s9 =	sadd.s32 $0xFFFFFEF7, lr;
	s5 =	simm.s32 $0xFFFFFFFF;
	p2 =	slt.u32 s8, $0xFFFFF086  }
0x1c: {  	p1 =	slt.u32 s9, $0xF7A;
	s5 =	simm.s32 @!p2 $0x0  }
0x1d: {  	s5 =	simm.s32 @p1 $0x1;
	p0 =	seq.s32 s7, s2  }
0x1e: {  	s7 =	smul.u32 @!p0 $0xF7A, s2;
	p2 =	seq.s32 @!p0 s5, $0x0  }
0x1f: {  	s9 =	smul.u32 $0xF7A, s1;
	s8 =	simm.s32 @!p0 $0x1BF5;
	p2 =	por !p2, p0  }
0x20: {  	[sflag:s8] =	ssyncset.s32 @!p0 $0xFFFFF086;
	s6 =	sadd.s32 @!p0 s3, s7;
	s7 =	simm.s32 @!p0 $0x108  }
0x21: {  	s3 =	sadd.s32 s3, s9;
	s6 =	sadd.s32 @!p0 $0x88, s6;
	s7 =	simm.s32 @p2 $0x1082  }
0x22: {  	[simem:s7], [sflag:s8] =	dma.local @!p0 [hbm:s6], $0xF7A  }
0x23: {  	s9 =	sor.u32 $0xD0000000, s2;
	s6 =	simm.s32 $0x108;
	_ =	swait.ge @!p0 [sflag:s8], $0x0  }
0x24: {  	s3 =	sadd.s32 $0x88, s3;
	s6 =	simm.s32 @!p1 $0x1082;
	[sflag:s4] =	ssyncset.s32 $0xFFFFF086  }
0x25: {  	[simem:s6], [sflag:s4] =	dma.local [hbm:s3], $0xF7A  }
0x26: {  	[smem:$0x3F95] =	sst s1;
	(tag) =	ssettag s2;
	_ =	strace s9  }
0x27: {  	s1 =	sld [smem:$0x3FA5]  }
0x28: {  	s2 =	sld [smem:$0x3FA6]  }
0x29: {  	s4 =	sld [smem:$0x3FA8]  }
0x2a: {  	p0 =	seq.s32 s5, $0x0;
	s5 =	sld [smem:$0x3FA9]  }
0x2b: {  	s6 =	sld [smem:$0x3FAA]  }
0x2c: {  	s7 =	sld [smem:$0x3FAB]  }
0x2d: {  	s3 =	simm.s32 $0x108;
	s8 =	sld [smem:$0x3FAC]  }
0x2e: {  	s3 =	simm.s32 @!p0 $0x1082;
	s9 =	sld [smem:$0x3FAD]  }
0x2f: {  	lr =	sadd.s32 s0, s3;
	s0 =	sld [smem:$0x3FA4]  }
0x30: {  	s3 =	sld [smem:$0x3FA7]  }
0x31: {  	[smem:$0x3FB0] =	sst s10  }
0x32: {  	s10 =	sld [smem:$0x3FAE];
	_ =	sdelay $0x3  }
0x33: {  	p0 =	seq.s32 s10, $0x1;
	s10 =	sld [smem:$0x3FB0];
	_ =	sdelay $0x3  }
0x34: {  	[smem:$0x3FB0] =	sst s10  }
0x35: {  	s10 =	sld [smem:$0x3FAF];
	_ =	sdelay $0x3  }
0x36: {  	p1 =	seq.s32 s10, $0x1;
	s10 =	sld [smem:$0x3FB0];
	_ =	sdelay $0x3  }
0x37: {  	[smem:$0x3FB0] =	sst s10  }
0x38: {  	s10 =	sld [smem:$0x3FB1]  }
0x39: {  	_ = 	snop;
	(pc) =	sbr.ind lr, $3  }
0x3a: {  	_ = 	snop  }
0x3b: {  	_ = 	snop  }
0x3c: {  	p2 =	seq.s32 s10, $0x1;
	s10 =	sld [smem:$0x3FB0]  }
0x3d: {  	_ =	shalt  }
0x3e: {  	_ =	shalt  }
0x3f: {  	_ =	shalt  }
0x40: {  	_ =	shalt  }
0x41: {  	_ =	shalt  }
0x42: {  	_ =	shalt  }
0x43: {  	_ =	shalt  }
0x44: {  	_ =	shalt  }
0x45: {  	_ =	shalt  }
0x46: {  	_ =	shalt  }
0x47: {  	_ =	shalt  }
0x48: {  	_ =	shalt  }
0x49: {  	_ =	shalt  }
0x4a: {  	_ =	shalt  }
0x4b: {  	_ =	shalt  }
0x4c: {  	_ =	shalt  }
0x4d: {  	_ =	shalt  }
0x4e: {  	_ =	shalt  }
0x4f: {  	_ =	shalt  }
0x50: {  	_ =	shalt  }
0x51: {  	_ =	shalt  }
0x52: {  	_ =	shalt  }
0x53: {  	_ =	shalt  }
0x54: {  	_ =	shalt  }
0x55: {  	_ =	shalt  }
0x56: {  	_ =	shalt  }
0x57: {  	_ =	shalt  }
0x58: {  	_ =	shalt  }
0x59: {  	_ =	shalt  }
0x5a: {  	_ =	shalt  }
0x5b: {  	_ =	shalt  }
0x5c: {  	_ =	shalt  }
0x5d: {  	_ =	shalt  }
0x5e: {  	_ =	shalt  }
0x5f: {  	_ =	shalt  }
0x60: {  	_ =	shalt  }
0x61: {  	_ =	shalt  }
0x62: {  	_ =	shalt  }
0x63: {  	_ =	shalt  }
0x64: {  	_ =	shalt  }
0x65: {  	_ =	shalt  }
0x66: {  	_ =	shalt  }
0x67: {  	_ =	shalt  }
0x68: {  	_ =	shalt  }
0x69: {  	_ =	shalt  }
0x6a: {  	_ =	shalt  }
0x6b: {  	_ =	shalt  }
0x6c: {  	_ =	shalt  }
0x6d: {  	_ =	shalt  }
0x6e: {  	_ =	shalt  }
0x6f: {  	_ =	shalt  }
0x70: {  	_ =	shalt  }
0x71: {  	_ =	shalt  }
0x72: {  	_ =	shalt  }
0x73: {  	_ =	shalt  }
0x74: {  	_ =	shalt  }
0x75: {  	_ =	shalt  }
0x76: {  	_ =	shalt  }
0x77: {  	_ =	shalt  }
0x78: {  	_ =	shalt  }
0x79: {  	_ =	shalt  }
0x7a: {  	_ =	shalt  }
0x7b: {  	_ =	shalt  }
0x7c: {  	_ =	shalt  }
0x7d: {  	_ =	shalt  }
0x7e: {  	_ =	shalt  }
0x7f: {  	_ =	shalt  }
0x80: {  	_ =	shalt  }
0x81: {  	_ =	shalt  }
0x82: {  	_ =	shalt  }
0x83: {  	_ =	shalt  }
0x84: {  	_ =	shalt  }
0x85: {  	_ =	shalt  }
0x86: {  	_ =	shalt  }
0x87: {  	_ =	shalt  }
.Lfunc_end0:
.L_simem_size_0:
called_computation.1_lowered:
.L_overlay_start_0:
0x88: {  	s2 =	sld [smem:$0x3FD9]  }
0x89: {  	s3 =	sld [smem:$0x3FFE];
	_ =	sdelay $0x1  }
0x8a: {  	s1 =	srdreg.scid  }
0x8b: {  	s0 =	sand.u32 $0x1, s1  }
0x8c: {  	s16 =	sshll.u32 s0, $0xA;
	s2 =	sadd.s32 s3, s2  }
0x8d: {  	s2 =	sadd.s32 s2, s16  }
0x8e: {  	[smem:$0x3FBC] =	sst s2  }
0x8f: {  	_ = 	snop  }
0x90: {  	(tm) =	ssettm $0x1  }
0x91: {  	s17 =	sld [smem:$0x3FFB];
	_ =	sdelay $0x3  }
0x92: {  	_ =	strace s17  }
0x93: {  	s2 =	sld [smem:$0x3FFC];
	_ =	sdelay $0x3  }
0x94: {  	_ =	strace s2  }
0x95: {  	s2 =	sld [smem:$0x3FFD];
	_ =	sdelay $0x3  }
0x96: {  	_ =	strace s2  }
0x97: {  	_ =	strace $0x8FFFFFFF  }
0x98: {  	s18 =	sld [smem:$0x3FDB];
	_ =	sdelay $0x1  }
0x99: {  	s19 =	simm.s32 $_scs_section_size  }
0x9a: {  	s4 =	simm.s32 $_size__tile_overlayer_lowered;
	s5 =	simm.s32 $_tile_overlayer_lowered  }
0x9b: {  	s22 =	simm.s32 $0x1BFF;
	s21 =	sshll.u32 s5, $0x1;
	s2 =	sadd.s32 s19, s18  }
0x9c: {  	s6 =	simm.s32 $0x0;
	s20 =	sshll.u32 s4, $0x1;
	s4 =	sadd.s32 s21, s2  }
0x9d: {  	[timem:s6], [sflag:s22] =	dma.local [hbm:s4], s20  }
0x9e: {  	_ =	swait.ge [sflag:s22], s20  }
0x9f: {  	s3 =	ssub.s32 $0x0, s20;
	[sflag:s22] =	ssyncset.done $0x0  }
0xa0: {  	[sflag:s22] =	ssyncadd.s32 s3;
	_ =	sdelay $0x1  }
0xa1: {  	s23 =	simm.s32 $0x1B8B  }
0xa2: {  	_ =	swait.ge [sflag:s23], $0x1  }
0xa3: {  	[sflag:s23] =	ssyncset.done $0x0  }
0xa4: {  	s25 =	simm.s32 $0x1B8E;
	s24 =	sld [smem:$0x3FFE];
	[sflag:s23] =	ssyncadd.s32 $0xFFFFFFFF  }
0xa5: {  	s26 =	simm.s32 $execute0_lowered;
	[smem:$0x3FD2] =	sst s25  }
0xa6: {  	s4 =	sshll.u32 s26, $0x1;
	_ =	strace $0x80000049;
	[dreg:$0x1] =	wrdreg $0xFFFFFFFF  }
0xa7: {  	s28 =	simm.s32 $_size_execute0_lowered;
	s2 =	sadd.s32 s2, s4;
	[dreg:$0x0] =	wrdreg $0x0  }
0xa8: {  	s4 =	sshll.u32 s28, $0x1;
	[dreg:$0x2] =	wrdreg s2  }
0xa9: {  	[dreg:$0x3] =	wrdreg s4  }
0xaa: {  	[dreg:$0x4] =	wrdreg $0xC0  }
0xab: {  	_ =	task [dreg:s6], $0x5FFFF  }
0xac: {  	[dreg:$0x1] =	wrdreg $0xFFFFFFFF  }
0xad: {  	[dreg:$0x0] =	wrdreg $0x60  }
0xae: {  	[dreg:$0x2] =	wrdreg s24  }
0xaf: {  	[dreg:$0x3] =	wrdreg $0x88000  }
0xb0: {  	[dreg:$0x4] =	wrdreg $0x9  }
0xb1: {  	_ =	task.clear_ibuf [dreg:s6], $0x5FFFF;
	_ =	strace $0x90000049  }
0xb2: {  	s29 =	simm.s32 $0x9;
	_ =	strace $0x8000004B  }
0xb3: {  	_ =	swait.ge [sflag:s29], $0x1  }
0xb4: {  	[sflag:s29] =	ssyncadd.s32 $0xFFFFFFFF  }
0xb5: {  	_ =	strace $0x9000004B  }
0xb6: {  	_ =	sfence  }
0xb7: {  	s30 =	sld [smem:$0x0];
	_ =	sdelay $0x2  }
0xb8: {  	s31 =	sshll.u32 s1, $0xD;
	s1 =	sshrl.u32 s1, $0x2  }
0xb9: {  	s3 =	sand.u32 $0x4000, s31;
	s1 =	sadd.s32 s1, s30  }
0xba: {  	s0 =	sor.u32 s3, s0;
	s1 =	sshll.u32 s1, $0x11  }
0xbb: {  	s0 =	sor.u32 s1, s0  }
0xbc: {  	s0 =	sadd.s32 $0x8F2B, s0  }
0xbd: {  	[sflag:s0] =	ssyncadd.remote.s32 $0x1  }
0xbe: {  	_ =	sfence.sel $0xFFFF  }
0xbf: {  	[dreg:$0x0] =	wrdreg $0xFFFFFFFF;
	(pc) =	sbr.abs _section_cstart, $3  }
0xc0: {  	[dreg:$0x1] =	wrdreg $0xFFFFFFFF  }
0xc1: {  	_ =	task.clear_ibuf [dreg:s6], $0x2FFFF;
	_ =	strace $0x9FFFFFFF  }
0xc2: {  	(tm) =	ssettm $0x7FFFFFFF  }
0xc3: {  	_ =	shalt  }
tec
execute0_lowered:
.L_overlay_start_1:
0x0: {  	(tag) =	ssettag $0x1  }
0x1: {  	s0 =	rddreg [dreg:$0x0]  }
0x2: {  	s1 =	rddreg [dreg:$0x1];
	s3 =	simm.s32 $0x0;
	s2 =	srdreg.scid  }
0x3: {  	s16 =	stileid.u32;
	s22 =	simm.s32 $0x500;
	s23 =	simm.s32 $0x600  }
0x4: {  	s28 =	simm.s32 $0x80;
	s29 =	simm.s32 $0x800;
	s30 =	simm.s32 $0xC  }
0x5: {  	s31 =	simm.s32 $0x0;
	[smem:$0x7FF] =	sst s3;
	s7 =	smul.u32 $0x14000, s16  }
0x6: {  	s2 =	sand.u32 $0x1, s2;
	s4 =	sadd.s32 $0x3E600, s0;
	s15 =	smul.u32 $0x50000, s16  }
0x7: {  	_ =	strace $0x8000004A;
	s5 =	sshll.u32 s2, $0x4;
	s8 =	smul.u32 $0x140000, s2  }
0x8: {  	s2 =	ssub.s32 $0x2, s2;
	s6 =	sor.u32 s16, s5;
	s5 =	sadd.s32 $0x2600, s0  }
0x9: {  	s9 =	sshrl.u32 s7, $0x3;
	s25 =	sshrl.u32 s2, $0x1;
	s15 =	sshrl.u32 s15, $0x2  }
0xa: {  	s16 =	sshll.u32 s16, $0x6;
	s6 =	smul.u32 $0x5000, s6;
	s14 =	sadd.s32 s9, s0  }
0xb: {  	s7 =	sadd.s32 s7, s8;
	s2 =	ssub.s32 s2, s25;
	s18 =	sadd.s32 s15, s1  }
0xc: {  	s15 =	sor.u32 $0x1C0D, s16;
	s25 =	simm.s32 $0xD;
	s7 =	sshrl.u32 s7, $0x3  }
.Ltmp0:
0xd: {  	s14 =	sadd.s32 $0x16600, s14;
	s17 =	smax.u32 s2, $0x1;
	(pc) =	sbr.rel .LBB2_1-.Ltmp0, $4  }
0xe: {  	s24 =	sshrl.u32 s18, $0x3;
	s26 =	sshrl.u32 s6, $0x3;
	s0 =	sadd.s32 s7, s0  }
0xf: {  	s7 =	sadd.s32 s5, s26;
	s16 =	sadd.s32 $0x65800, s0;
	s26 =	simm.s32 $0x1  }
0x10: {  	s8 =	sadd.s32 $0x20, s7;
	s9 =	sadd.s32 $0x40, s7;
	s10 =	sadd.s32 $0x60, s7  }
0x11: {  	s11 =	sadd.s32 $0x80, s7;
	s12 =	sadd.s32 $0xA0, s7;
	s13 =	sadd.s32 $0xC0, s7  }
.LBB2_8:
0x12: {  	_ =	swait.ge [sflag:s30], $0x4000  }
0x13: {  	s31 =	sadd.s32 $0x1, s31;
	[sflag:s30] =	ssyncset.done $0x0  }
0x14: {  	p0 =	sne.s32 s31, s17;
	[sflag:s30] =	ssyncadd.s32 $0xFFFFC000  }
.Ltmp1:
0x15: {  	[bflag:$0x0] =	sbarrier.arrive $0xFFFF;
	(pc) =	sbr.rel @!p0 .LBB2_9-.Ltmp1, $4  }
0x16: {  	[hbm:s16], [sflag:s15] =	dma.local [spmem:s24], $0x2800  }
0x17: {  	_ =	swait.ge [sflag:s25], $0x2800  }
0x18: {  	[sflag:s25] =	ssyncset.done $0x0  }
0x19: {  	[sflag:s25] =	ssyncadd.s32 $0xFFFFD800  }
.LBB2_1:
0x1a: {  	[tilespmem:s3], [sflag:$0x1] =	stream.linear.gather [hbm4b:s7+s3], $0x100, $0x38;
	[tilespmem:$0x1C800] =	vst v63  }
0x1b: {  	s0 =	simm.s32 $0x100  }
0x1c: {  	[tilespmem:s0], [sflag:$0x2] =	stream.linear.gather [hbm4b:s8+s3], $0x100, $0x38;
	[tilespmem:$0x1C800] =	vst v63  }
0x1d: {  	s19 =	simm.s32 $0x200  }
0x1e: {  	[tilespmem:s19], [sflag:$0x3] =	stream.linear.gather [hbm4b:s9+s3], $0x100, $0x38;
	[tilespmem:$0x1C800] =	vst v63  }
0x1f: {  	s20 =	simm.s32 $0x300  }
0x20: {  	[tilespmem:s20], [sflag:$0x4] =	stream.linear.gather [hbm4b:s10+s3], $0x100, $0x38;
	[tilespmem:$0x1C800] =	vst v63  }
0x21: {  	s21 =	simm.s32 $0x400  }
0x22: {  	[tilespmem:s21], [sflag:$0x5] =	stream.linear.gather [hbm4b:s11+s3], $0x100, $0x38;
	[tilespmem:$0x1C800] =	vst v63  }
0x23: {  	_ = 	snop  }
0x24: {  	[tilespmem:s22], [sflag:$0x6] =	stream.linear.gather [hbm4b:s12+s3], $0x100, $0x38;
	[tilespmem:$0x1C800] =	vst v63  }
0x25: {  	_ = 	snop  }
0x26: {  	[tilespmem:s23], [sflag:$0x7] =	stream.linear.gather [hbm4b:s13+s3], $0x100, $0x38;
	[tilespmem:$0x1C800] =	vst v63  }
0x27: {  	[spmem:s24], [sflag:s15] =	dma.local [hbm:s14], $0x2800  }
0x28: {  	_ =	swait.ge [sflag:s25], $0x2800  }
0x29: {  	[sflag:s25] =	ssyncset.done $0x0  }
0x2a: {  	[sflag:s25] =	ssyncadd.s32 $0xFFFFD800  }
.Ltmp2:
0x2b: {  	[bflag:$0x0] =	sbarrier.arrive $0xFFFF;
	(pc) =	sbr.rel .LBB2_2-.Ltmp2, $4  }
0x2c: {  	_ =	swait.ge [sflag:s26], $0x100  }
0x2d: {  	[sflag:s26] =	ssyncset.done $0x0  }
0x2e: {  	s0 =	simm.s32 $0x0;
	[sflag:s26] =	ssyncadd.s32 $0xFFFFFF00  }
0x2f: {  	[tilespmem:s29], [sflag:$0x9] =	stream.indirect.gather [hbm4b:s4+s28], $0x80, s3, s28, $0xb8;
	[tilespmem:$0x1C800] =	vst v63  }
.LBB2_6:
0x30: {  	s18 =	simm.s32 $0x50;
	s2 =	simm.s32 $0x1  }
.LBB2_7:
0x31: {  	s19 =	sadd.s32 $0x9, s2;
	s20 =	sshll.u32 s2, $0xE;
	p0 =	slt.u32 s18, $0x50  }
.Ltmp3:
0x32: {  	s0 =	sshll.u32 s0, $0x8;
	_ =	swait.ge [sflag:s19], $0x4000;
	(pc) =	sbr.rel @!p0 .LBB2_8-.Ltmp3, $4  }
0x33: {  	s21 =	sadd.s32 $0xB, s2;
	s0 =	sand.u32 $0x700, s0;
	[sflag:s19] =	ssyncset.done $0x0  }
0x34: {  	s20 =	sor.u32 $0x800, s20;
	s0 =	sor.u32 $0x80, s0;
	[sflag:s19] =	ssyncadd.s32 $0xFFFFC000  }
0x35: {  	[spmem:s1] =	stream.indirect.scatter.add.f32 [tilespmem:s20], [sflag:s21], $0x80, s0, s28, $0xb8;
	[tilespmem:$0x1C800] =	vst v63  }
0x36: {  	s0 =	smov.u32 s18  }
.LBB2_2:
0x37: {  	p0 =	seq.s32 s0, $0x0  }
0x38: {  	p1 =	sgt.u32 @!p0 s0, $0x48  }
0x39: {  	s2 =	sand.u32 @!p0 $0x1, s0;
	p1 =	por p0, !p1  }
.Ltmp4:
0x3a: {  	s18 =	sxor.u32 @!p0 $0x1, s2;
	(pc) =	sbr.rel @!p1 .LBB2_5-.Ltmp4, $4  }
0x3b: {  	s18 =	sadd.s32 @!p0 $0xB, s18  }
0x3c: {  	_ =	swait.ge @!p0 [sflag:s18], $0x4000  }
0x3d: {  	[sflag:s18] =	ssyncset.done @!p0 $0x0  }
0x3e: {  	[sflag:s18] =	ssyncadd.s32 @!p0 $0xFFFFC000  }
0x3f: {  	s18 =	sadd.s32 $0x7, s0  }
.Ltmp5:
0x40: {  	s19 =	sshll.u32 s18, $0x8;
	(pc) =	sbr.rel .LBB2_4-.Ltmp5, $4  }
0x41: {  	s19 =	sadd.s32 s6, s19  }
0x42: {  	s2 =	simm.s32 @p0 $0x0;
	s18 =	sand.u32 $0x7, s18;
	s19 =	sshrl.u32 s19, $0x3  }
0x43: {  	s20 =	sshll.u32 s18, $0x8;
	s18 =	sadd.s32 $0x1, s18;
	s19 =	sadd.s32 s5, s19  }
0x44: {  	[tilespmem:s20], [sflag:s18] =	stream.linear.gather [hbm4b:s19+s3], $0x100, $0x38;
	[tilespmem:$0x1C800] =	vst v63  }
.LBB2_5:
0x45: {  	p0 =	seq.s32 s0, $0x4F  }
.Ltmp6:
0x46: {  	_ = 	snop;
	(pc) =	sbr.rel @p0 .LBB2_6-.Ltmp6, $1  }
0x47: {  	_ =	sdelay $0x3  }
.LBB2_4:
0x48: {  	s18 =	sadd.s32 $0x1, s0  }
0x49: {  	s19 =	sand.u32 $0x7, s18  }
0x4a: {  	s20 =	sadd.s32 $0x1, s19  }
.Ltmp7:
0x4b: {  	_ =	swait.ge [sflag:s20], $0x100;
	(pc) =	sbr.rel .LBB2_7-.Ltmp7, $4  }
0x4c: {  	s21 =	sand.u32 $0x1, s18;
	[sflag:s20] =	ssyncset.done $0x0  }
0x4d: {  	[sflag:s20] =	ssyncadd.s32 $0xFFFFFF00;
	s20 =	sshll.u32 s21, $0xE  }
0x4e: {  	s19 =	sshll.u32 s19, $0x8;
	s21 =	sadd.s32 $0x9, s21;
	s20 =	sor.u32 $0x800, s20  }
0x4f: {  	[tilespmem:s20], [sflag:s21] =	stream.indirect.gather [hbm4b:s4+s28], $0x80, s19, s28, $0xb8;
	[tilespmem:$0x1C800] =	vst v63  }
.LBB2_9:
0x50: {  	_ =	sfence.sel $0x180000  }
0x51: {  	[bflag:$0x0] =	sbarrier.arrive $0xFFFF  }
0x52: {  	_ =	strace $0x9000004A  }
0x53: {  	s0 =	stileid.u32;
	[bflag:$0x2] =	sbarrier.arrive $0xFFFF  }
0x54: {  	p0 =	sne.s32 s0, $0x0;
	s0 =	rddreg [dreg:$0x2]  }
0x55: {  	s0 =	sadd.s32 @!p0 $0x100000, s0  }
0x56: {  	[sflag:s0] =	ssyncadd.tile.s32 @!p0 $0x1;
	_ =	shalt  }
.Lfunc_end2:
_tile_overlayer_lowered:
.L_overlay_start_2:
0x57: {  	(tag) =	ssettag $0x2  }
0x58: {  	s0 =	rddreg [dreg:$0x0];
	s2 =	stileid.u32  }
0x59: {  	s1 =	rddreg [dreg:$0x1];
	p0 =	sne.s32 s2, $0x0  }
0x5a: {  	s3 =	rddreg [dreg:$0x2];
	[bflag:$0x3] =	sbarrier.arrive $0xFFFF;
	s2 =	simm.s32 @!p0 $0x1C0D  }
0x5b: {  	[timem:s3], [sflag:s2] =	dma.local @!p0 [hbm:s0], s1  }
0x5c: {  	s0 =	simm.s32 @!p0 $0xD  }
0x5d: {  	_ =	swait.ge @!p0 [sflag:s0], s1  }
0x5e: {  	s1 =	ssub.s32 @!p0 $0x0, s1;
	[sflag:s0] =	ssyncset.done @!p0 $0x0  }
0x5f: {  	[sflag:s0] =	ssyncadd.s32 @!p0 s1  }
0x60: {  	[bflag:$0x3] =	sbarrier.arrive $0xFFFF  }
0x61: {  	_ =	shalt  }

</sc_bundles>
